<compile_context>
chip_gen: v7x
topology: tpu7x:2x2x1
jax: 0.10.2.dev20260603
libtpu: 0.0.44.dev20260713+nightly
codegen_flags: <defaults>
</compile_context>

<pallas_src>
import functools
import math

import jax
import jax.numpy as jnp
from jax import lax
from jax.experimental import pallas as pl
from jax.experimental.pallas import tpu as pltpu
from jax.experimental.pallas import tpu_sc as plsc

_BZ = 512
_BE = 512
_NSUB = _BE // 128


def _bf16_dot_t(a, b):
    return lax.dot_general(
        a.astype(jnp.bfloat16), b.astype(jnp.bfloat16),
        (((1,), (1,)), ((), ())),
        preferred_element_type=jnp.float32)


def _project_kernel(cb_ref, w_ref, b_ref, e_ref, ebt_ref):
    cb = cb_ref[...]
    w = w_ref[...]
    e = _bf16_dot_t(cb, w) + b_ref[...]
    e_ref[...] = e
    ebt_ref[...] = e.astype(jnp.bfloat16).T


def _project(codebook, proj_w, proj_b):
    n, in_dim = codebook.shape
    cd = proj_w.shape[0]
    blk = 1024
    nb = n // blk
    e, ebt = pl.pallas_call(
        _project_kernel,
        grid=(nb,),
        in_specs=[
            pl.BlockSpec((blk, in_dim), lambda i: (i, 0)),
            pl.BlockSpec((cd, in_dim), lambda i: (0, 0)),
            pl.BlockSpec((1, cd), lambda i: (0, 0)),
        ],
        out_specs=[
            pl.BlockSpec((blk, cd), lambda i: (i, 0)),
            pl.BlockSpec((cd, blk), lambda i: (0, i)),
        ],
        out_shape=[
            jax.ShapeDtypeStruct((n, cd), jnp.float32),
            jax.ShapeDtypeStruct((cd, n), jnp.bfloat16),
        ],
    )(codebook, proj_w, proj_b.reshape(1, cd))
    return e, ebt


def _argmin_kernel(mu, recip, zb_ref, z2_ref, ebt_ref, e2_ref, idx_ref,
                   accv_ref, acci_ref):
    n = ebt_ref.shape[1]
    bz = zb_ref.shape[0]
    zb = zb_ref[...]
    z2c = z2_ref[...]
    accv_ref[...] = jnp.full((bz, 128), jnp.inf, jnp.float32)
    acci_ref[...] = jnp.zeros((bz, 128), jnp.int32)

    def chunk(j, carry):
        ebt_c = ebt_ref[:, pl.ds(j * _BE, _BE)]
        q = lax.dot_general(zb, ebt_c, (((1,), (0,)), ((), ())),
                            preferred_element_type=jnp.float32)
        av = accv_ref[...]
        ai = acci_ref[...]
        for sub in range(_NSUB):
            e2s = e2_ref[0, pl.ds(j * _BE + sub * 128, 128)]
            s = (z2c + e2s[None, :]) + q[:, sub * 128:(sub + 1) * 128]
            s = jnp.maximum(s, 0.0)
            take = s < av
            av = jnp.where(take, s, av)
            ai = jnp.where(take, j * _NSUB + sub, ai)
        accv_ref[...] = av
        acci_ref[...] = ai
        return carry

    lax.fori_loop(0, n // _BE, chunk, 0, unroll=8)
    av = accv_ref[...]
    ai = acci_ref[...]
    kv = (lax.rsqrt(av) * av + mu) * recip
    cmin = jnp.min(kv, axis=1, keepdims=True)
    io = lax.broadcasted_iota(jnp.int32, (bz, 128), 1)
    gidx = ai * 128 + io
    cand = jnp.where(kv == cmin, gidx, n)
    idx_ref[0, 0, :] = jnp.min(cand, axis=1)


def _argmin(zb, z2rep, ebt, e2, mu, recip):
    m, c = zb.shape
    n = ebt.shape[1]
    nz = m // _BZ
    out = pl.pallas_call(
        functools.partial(_argmin_kernel, mu, recip),
        grid=(nz,),
        in_specs=[
            pl.BlockSpec((_BZ, c), lambda i: (i, 0)),
            pl.BlockSpec((_BZ, 128), lambda i: (i, 0)),
            pl.BlockSpec((c, n), lambda i: (0, 0)),
            pl.BlockSpec((1, n), lambda i: (0, 0)),
        ],
        out_specs=pl.BlockSpec((1, 1, _BZ), lambda i: (i, 0, 0)),
        out_shape=jax.ShapeDtypeStruct((nz, 1, _BZ), jnp.int32),
        scratch_shapes=[
            pltpu.VMEM((_BZ, 128), jnp.float32),
            pltpu.VMEM((_BZ, 128), jnp.int32),
        ],
    )(zb, z2rep, ebt, e2)
    return out.reshape(m)


def _gather_rows(table, idx):
    n, d = table.shape
    b = idx.shape[0]
    nw = 32
    bw = b // nw
    ch = 256
    mesh = plsc.VectorSubcoreMesh(core_axis_name="c", subcore_axis_name="s")

    @functools.partial(
        pl.kernel, mesh=mesh,
        out_type=jax.ShapeDtypeStruct((b, d), jnp.float32),
        scratch_types=[
            pltpu.VMEM((ch,), jnp.int32),
            pltpu.VMEM((ch, d), jnp.float32),
            pltpu.SemaphoreType.DMA,
        ],
    )
    def k(table_hbm, idx_hbm, out_hbm, idx_v, rows_v, sem):
        wid = lax.axis_index("s") * 2 + lax.axis_index("c")
        for t in range(bw // ch):
            base = wid * bw + t * ch
            pltpu.sync_copy(idx_hbm.at[pl.ds(base, ch)], idx_v)
            pltpu.async_copy(table_hbm.at[idx_v], rows_v, sem).wait()
            pltpu.sync_copy(rows_v, out_hbm.at[pl.ds(base, ch)])

    return k(table, idx)


def kernel(input, codebook, proj_w, proj_b):
    b, h, w, c = input.shape
    z = input.reshape(-1, c)
    m = z.shape[0]
    e, ebt = _project(codebook, proj_w, proj_b)
    z2 = jnp.sum(z * z, axis=1)
    e2 = jnp.sum(e * e, axis=1)
    zb = (-2.0 * z).astype(jnp.bfloat16)
    z2rep = jnp.broadcast_to(z2[:, None], (m, 128))
    mean = math.sqrt(2) * math.exp(math.lgamma((c + 1) / 2) - math.lgamma(c / 2))
    std = math.sqrt(c - mean ** 2)
    import numpy as _np
    mu = float(_np.float32(mean))
    recip = float(_np.float32(1.0 / std))
    zidx = _argmin(zb, z2rep, ebt, e2.reshape(1, -1), mu, recip)
    quant = _gather_rows(e, zidx)
    return zidx.reshape(b, h, w), quant.reshape(b, h, w, c)

# --- scband reference (transcript-rebuilt; emitter-appended) ---
"""Pipeline reference for scband-quanti-z-19035295056273 (READ-ONLY COPY).

The authoritative reference and input builder live on the scoring server;
editing this copy changes nothing except your own understanding.
"""

import jax, jax.numpy as jnp
import numpy as np
import math

NUM_CODE = 8192
CODE_DIM = 256
IN_DIM = 1024
B, H, W = 16, 32, 32


def _chi_dist_mean_std(c):
    mean = math.sqrt(2) * math.exp(math.lgamma((c + 1) / 2) - math.lgamma(c / 2))
    std = math.sqrt(c - mean ** 2)
    return mean, std


def setup_inputs(seed: int = 0) -> dict:
    key = jax.random.key(seed)
    k1, k2, k3, k4 = jax.random.split(key, 4)
    x = jax.random.normal(k1, (B, H, W, CODE_DIM), dtype=jnp.float32)
    # codebook: nn.Embedding(num_code, in_dim), init normal(0,1), frozen
    codebook = jax.random.normal(k2, (NUM_CODE, IN_DIM), dtype=jnp.float32)
    # project: nn.Linear(in_dim, code_dim), default torch init U(-1/sqrt(in), 1/sqrt(in))
    bound = 1.0 / math.sqrt(IN_DIM)
    proj_w = jax.random.uniform(k3, (CODE_DIM, IN_DIM), dtype=jnp.float32, minval=-bound, maxval=bound)
    proj_b = jax.random.uniform(k4, (CODE_DIM,), dtype=jnp.float32, minval=-bound, maxval=bound)
    return {"input": x, "codebook": codebook, "proj_w": proj_w, "proj_b": proj_b}


def reference(input, codebook, proj_w, proj_b):
    b, h, w, c = input.shape
    # e = self.project(self.codebook.weight)
    e = codebook @ proj_w.T + proj_b  # (num_code, code_dim)
    z = input.reshape(-1, c)  # (b*h*w, code_dim)
    # with torch.no_grad(): s = -cdist(z, e, p=2)
    z2 = jnp.sum(z * z, axis=1, keepdims=True)
    e2 = jnp.sum(e * e, axis=1)[None, :]
    d2 = jnp.maximum(z2 + e2 - 2.0 * (z @ e.T), 0.0)
    s = -jnp.sqrt(d2)
    s = jax.lax.stop_gradient(s)
    mu, sigma = _chi_dist_mean_std(c)
    simi = (s.reshape(b, h, w, -1) - mu) / sigma
    # not training / std == 0 -> plain softmax
    zsoft = jax.nn.softmax(simi, axis=-1)
    zidx = jnp.argmax(zsoft, axis=-1)  # (b,h,w)
    # select: quant = e[zidx]
    quant = jnp.take(e, zidx, axis=0)  # (b,h,w,code_dim)
    return (zidx, quant)

if __name__ == "__main__":
    import jax
    _d = setup_inputs()
    print(jax.jit(kernel)(*tuple(_d.values())))

</pallas_src>

<mosaic_0001>
#map = affine_map<(d0, d1) -> (0, 0)>
#map1 = affine_map<(d0, d1) -> (0)>
module attributes {stable_mosaic.version = 14 : i64} {
  func.func @k(%arg0: i32, %arg1: i32, %arg2: memref<8192x256xf32, #tpu.memory_space<hbm>>, %arg3: memref<16384xi32, #tpu.memory_space<hbm>>, %arg4: memref<16384x256xf32, #tpu.memory_space<hbm>>, %arg5: memref<256xi32, #tpu.memory_space<vmem>>, %arg6: memref<256x256xf32, #tpu.memory_space<vmem>>, %arg7: memref<!tpu.dma_semaphore, #tpu.memory_space<semaphore_mem>>) attributes {dimension_semantics = [#tpu.dimension_semantics<core_parallel>, #tpu.dimension_semantics<subcore_parallel>], iteration_bounds = array<i64: 2, 16>, scalar_prefetch = 0 : i64, scratch_operands = 3 : i64, tpu.core_type = #tpu.core_type<sc_vector_subcore>, window_params = [{transform_indices = #map}, {transform_indices = #map1}, {transform_indices = #map}]} {
    %mul3A = arith.constant 2 : i32
    %mul3A_0 = arith.muli %arg1, %mul3A : i32
    %add3A = arith.addi %mul3A_0, %arg0 : i32
    %mul3A_1 = arith.constant 512 : i32
    %mul3A_2 = arith.muli %add3A, %mul3A_1 : i32
    %add3A_3 = arith.constant 0 : i32
    %add3A_4 = arith.addi %mul3A_2, %add3A_3 : i32
    "tpu.region"() ({
      %run_scoped3A = tpu.sem_alloc : memref<!tpu.dma_semaphore, #tpu.memory_space<semaphore_mem>>
      %dma_start3A_19 = tpu.memref_slice %arg3[%add3A_4] : memref<16384xi32, #tpu.memory_space<hbm>> -> memref<256xi32, #tpu.memory_space<hbm>>
      %dma_start3A_20 = tpu.memref_slice %arg3[%add3A_4] : memref<16384xi32, #tpu.memory_space<hbm>> -> memref<256xi32, #tpu.memory_space<hbm>>
      tpu.enqueue_dma source(%dma_start3A_20 : memref<256xi32, #tpu.memory_space<hbm>>) target(%arg5 : memref<256xi32, #tpu.memory_space<vmem>>) target_semaphore(%run_scoped3A : memref<!tpu.dma_semaphore, #tpu.memory_space<semaphore_mem>>)
      %dma_wait3A_21 = tpu.memref_slice %arg3[%add3A_4] : memref<16384xi32, #tpu.memory_space<hbm>> -> memref<256xi32, #tpu.memory_space<hbm>>
      %dma_wait3A_22 = tpu.memref_slice %arg3[%add3A_4] : memref<16384xi32, #tpu.memory_space<hbm>> -> memref<256xi32, #tpu.memory_space<hbm>>
      tpu.wait_dma2 semaphore(%run_scoped3A : memref<!tpu.dma_semaphore, #tpu.memory_space<semaphore_mem>>) src(%dma_wait3A_22 : memref<256xi32, #tpu.memory_space<hbm>>) dst(%arg5 : memref<256xi32, #tpu.memory_space<vmem>>)
      tpu.yield
    }) : () -> ()
    %dma_start3A = arith.constant 0 : i32
    %dma_start3A_5 = arith.constant 0 : i32
    %dma_start3A_6 = tpu.memref_slice %arg2[%dma_start3A, %dma_start3A_5] : memref<8192x256xf32, #tpu.memory_space<hbm>> -> memref<8192x256xf32, #tpu.memory_space<hbm>>
    tpu.enqueue_indirect_dma source(%dma_start3A_6 : memref<8192x256xf32, #tpu.memory_space<hbm>>) target(%arg6 : memref<256x256xf32, #tpu.memory_space<vmem>>) offsets(%arg5 : memref<256xi32, #tpu.memory_space<vmem>>) semaphore(%arg7 : memref<!tpu.dma_semaphore, #tpu.memory_space<semaphore_mem>>)
    %dma_wait3A = arith.constant 0 : i32
    %dma_wait3A_7 = arith.constant 0 : i32
    %dma_wait3A_8 = tpu.memref_slice %arg2[%dma_wait3A, %dma_wait3A_7] : memref<8192x256xf32, #tpu.memory_space<hbm>> -> memref<8192x256xf32, #tpu.memory_space<hbm>>
    tpu.wait_indirect_dma semaphore(%arg7 : memref<!tpu.dma_semaphore, #tpu.memory_space<semaphore_mem>>) src(%dma_wait3A_8 : memref<8192x256xf32, #tpu.memory_space<hbm>>) dst(%arg6 : memref<256x256xf32, #tpu.memory_space<vmem>>)
    "tpu.region"() ({
      %run_scoped3A = tpu.sem_alloc : memref<!tpu.dma_semaphore, #tpu.memory_space<semaphore_mem>>
      %dma_start3A_19 = arith.constant 0 : i32
      %dma_start3A_20 = tpu.memref_slice %arg4[%add3A_4, %dma_start3A_19] : memref<16384x256xf32, #tpu.memory_space<hbm>> -> memref<256x256xf32, #tpu.memory_space<hbm>>
      %dma_start3A_21 = arith.constant 0 : i32
      %dma_start3A_22 = tpu.memref_slice %arg4[%add3A_4, %dma_start3A_21] : memref<16384x256xf32, #tpu.memory_space<hbm>> -> memref<256x256xf32, #tpu.memory_space<hbm>>
      tpu.enqueue_dma source(%arg6 : memref<256x256xf32, #tpu.memory_space<vmem>>) target(%dma_start3A_22 : memref<256x256xf32, #tpu.memory_space<hbm>>) target_semaphore(%run_scoped3A : memref<!tpu.dma_semaphore, #tpu.memory_space<semaphore_mem>>)
      %dma_wait3A_23 = arith.constant 0 : i32
      %dma_wait3A_24 = tpu.memref_slice %arg4[%add3A_4, %dma_wait3A_23] : memref<16384x256xf32, #tpu.memory_space<hbm>> -> memref<256x256xf32, #tpu.memory_space<hbm>>
      %dma_wait3A_25 = arith.constant 0 : i32
      %dma_wait3A_26 = tpu.memref_slice %arg4[%add3A_4, %dma_wait3A_25] : memref<16384x256xf32, #tpu.memory_space<hbm>> -> memref<256x256xf32, #tpu.memory_space<hbm>>
      tpu.wait_dma2 semaphore(%run_scoped3A : memref<!tpu.dma_semaphore, #tpu.memory_space<semaphore_mem>>) src(%arg6 : memref<256x256xf32, #tpu.memory_space<vmem>>) dst(%dma_wait3A_26 : memref<256x256xf32, #tpu.memory_space<hbm>>)
      tpu.yield
    }) : () -> ()
    %mul3A_9 = arith.constant 512 : i32
    %mul3A_10 = arith.muli %add3A, %mul3A_9 : i32
    %add3A_11 = arith.constant 256 : i32
    %add3A_12 = arith.addi %mul3A_10, %add3A_11 : i32
    "tpu.region"() ({
      %run_scoped3A = tpu.sem_alloc : memref<!tpu.dma_semaphore, #tpu.memory_space<semaphore_mem>>
      %dma_start3A_19 = tpu.memref_slice %arg3[%add3A_12] : memref<16384xi32, #tpu.memory_space<hbm>> -> memref<256xi32, #tpu.memory_space<hbm>>
      %dma_start3A_20 = tpu.memref_slice %arg3[%add3A_12] : memref<16384xi32, #tpu.memory_space<hbm>> -> memref<256xi32, #tpu.memory_space<hbm>>
      tpu.enqueue_dma source(%dma_start3A_20 : memref<256xi32, #tpu.memory_space<hbm>>) target(%arg5 : memref<256xi32, #tpu.memory_space<vmem>>) target_semaphore(%run_scoped3A : memref<!tpu.dma_semaphore, #tpu.memory_space<semaphore_mem>>)
      %dma_wait3A_21 = tpu.memref_slice %arg3[%add3A_12] : memref<16384xi32, #tpu.memory_space<hbm>> -> memref<256xi32, #tpu.memory_space<hbm>>
      %dma_wait3A_22 = tpu.memref_slice %arg3[%add3A_12] : memref<16384xi32, #tpu.memory_space<hbm>> -> memref<256xi32, #tpu.memory_space<hbm>>
      tpu.wait_dma2 semaphore(%run_scoped3A : memref<!tpu.dma_semaphore, #tpu.memory_space<semaphore_mem>>) src(%dma_wait3A_22 : memref<256xi32, #tpu.memory_space<hbm>>) dst(%arg5 : memref<256xi32, #tpu.memory_space<vmem>>)
      tpu.yield
    }) : () -> ()
    %dma_start3A_13 = arith.constant 0 : i32
    %dma_start3A_14 = arith.constant 0 : i32
    %dma_start3A_15 = tpu.memref_slice %arg2[%dma_start3A_13, %dma_start3A_14] : memref<8192x256xf32, #tpu.memory_space<hbm>> -> memref<8192x256xf32, #tpu.memory_space<hbm>>
    tpu.enqueue_indirect_dma source(%dma_start3A_15 : memref<8192x256xf32, #tpu.memory_space<hbm>>) target(%arg6 : memref<256x256xf32, #tpu.memory_space<vmem>>) offsets(%arg5 : memref<256xi32, #tpu.memory_space<vmem>>) semaphore(%arg7 : memref<!tpu.dma_semaphore, #tpu.memory_space<semaphore_mem>>)
    %dma_wait3A_16 = arith.constant 0 : i32
    %dma_wait3A_17 = arith.constant 0 : i32
    %dma_wait3A_18 = tpu.memref_slice %arg2[%dma_wait3A_16, %dma_wait3A_17] : memref<8192x256xf32, #tpu.memory_space<hbm>> -> memref<8192x256xf32, #tpu.memory_space<hbm>>
    tpu.wait_indirect_dma semaphore(%arg7 : memref<!tpu.dma_semaphore, #tpu.memory_space<semaphore_mem>>) src(%dma_wait3A_18 : memref<8192x256xf32, #tpu.memory_space<hbm>>) dst(%arg6 : memref<256x256xf32, #tpu.memory_space<vmem>>)
    "tpu.region"() ({
      %run_scoped3A = tpu.sem_alloc : memref<!tpu.dma_semaphore, #tpu.memory_space<semaphore_mem>>
      %dma_start3A_19 = arith.constant 0 : i32
      %dma_start3A_20 = tpu.memref_slice %arg4[%add3A_12, %dma_start3A_19] : memref<16384x256xf32, #tpu.memory_space<hbm>> -> memref<256x256xf32, #tpu.memory_space<hbm>>
      %dma_start3A_21 = arith.constant 0 : i32
      %dma_start3A_22 = tpu.memref_slice %arg4[%add3A_12, %dma_start3A_21] : memref<16384x256xf32, #tpu.memory_space<hbm>> -> memref<256x256xf32, #tpu.memory_space<hbm>>
      tpu.enqueue_dma source(%arg6 : memref<256x256xf32, #tpu.memory_space<vmem>>) target(%dma_start3A_22 : memref<256x256xf32, #tpu.memory_space<hbm>>) target_semaphore(%run_scoped3A : memref<!tpu.dma_semaphore, #tpu.memory_space<semaphore_mem>>)
      %dma_wait3A_23 = arith.constant 0 : i32
      %dma_wait3A_24 = tpu.memref_slice %arg4[%add3A_12, %dma_wait3A_23] : memref<16384x256xf32, #tpu.memory_space<hbm>> -> memref<256x256xf32, #tpu.memory_space<hbm>>
      %dma_wait3A_25 = arith.constant 0 : i32
      %dma_wait3A_26 = tpu.memref_slice %arg4[%add3A_12, %dma_wait3A_25] : memref<16384x256xf32, #tpu.memory_space<hbm>> -> memref<256x256xf32, #tpu.memory_space<hbm>>
      tpu.wait_dma2 semaphore(%run_scoped3A : memref<!tpu.dma_semaphore, #tpu.memory_space<semaphore_mem>>) src(%arg6 : memref<256x256xf32, #tpu.memory_space<vmem>>) dst(%dma_wait3A_26 : memref<256x256xf32, #tpu.memory_space<hbm>>)
      tpu.yield
    }) : () -> ()
    return
  }
}

module attributes {stable_mosaic.version = 14 : i64} {
  func.func @_project_kernel(%arg0: i32, %arg1: memref<1024x1024xf32, #tpu.memory_space<vmem>>, %arg2: memref<256x1024xf32, #tpu.memory_space<vmem>>, %arg3: memref<1x256xf32, #tpu.memory_space<vmem>>, %arg4: memref<1024x256xf32, #tpu.memory_space<vmem>>, %arg5: memref<256x1024xbf16, #tpu.memory_space<vmem>>) attributes {dimension_semantics = [#tpu.dimension_semantics<arbitrary>], iteration_bounds = array<i64: 8>, scalar_prefetch = 0 : i64, scratch_operands = 0 : i64, tpu.core_type = #tpu.core_type<tc>, window_params = [{transform_indices = @transform_0, window_bounds = array<i64: 1024, 1024>}, {pipeline_mode = #tpu.pipeline_mode<synchronous>, transform_indices = @transform_1, window_bounds = array<i64: 256, 1024>}, {pipeline_mode = #tpu.pipeline_mode<synchronous>, transform_indices = @transform_2, window_bounds = array<i64: 1, 256>}, {transform_indices = @transform_3, window_bounds = array<i64: 1024, 256>}, {transform_indices = @transform_4, window_bounds = array<i64: 256, 1024>}]} {
    %get3A = arith.constant 0 : index
    %get3A_0 = arith.constant 0 : index
    %get3A_1 = vector.load %arg1[%get3A, %get3A_0] : memref<1024x1024xf32, #tpu.memory_space<vmem>>, vector<1024x1024xf32>
    %get3A_2 = arith.constant 0 : index
    %get3A_3 = arith.constant 0 : index
    %get3A_4 = vector.load %arg2[%get3A_2, %get3A_3] : memref<256x1024xf32, #tpu.memory_space<vmem>>, vector<256x1024xf32>
    %convert_element_type3A = arith.truncf %get3A_1 : vector<1024x1024xf32> to vector<1024x1024xbf16>
    %convert_element_type3A_5 = arith.truncf %get3A_4 : vector<256x1024xf32> to vector<256x1024xbf16>
    %dot_general3A = arith.constant dense<0.000000e+00> : vector<1024x256xf32>
    %dot_general3A_6 = tpu.matmul %convert_element_type3A, %convert_element_type3A_5, %dot_general3A {dimension_numbers = #tpu.dot_dimension_numbers<[1], [1], [0], [0], [0, 0, 1, 0], [], []>, transpose_lhs_hint = false} : vector<1024x1024xbf16>, vector<256x1024xbf16>, vector<1024x256xf32> -> vector<1024x256xf32>
    %get3A_7 = arith.constant 0 : index
    %get3A_8 = arith.constant 0 : index
    %get3A_9 = vector.load %arg3[%get3A_7, %get3A_8] : memref<1x256xf32, #tpu.memory_space<vmem>>, vector<1x256xf32>
    %add3A = vector.broadcast %get3A_9 : vector<1x256xf32> to vector<1024x256xf32>
    %add3A_10 = arith.addf %dot_general3A_6, %add3A : vector<1024x256xf32>
    %swap3A = arith.constant 0 : index
    %swap3A_11 = arith.constant 0 : index
    %swap3A_12 = vector.load %arg4[%swap3A, %swap3A_11] : memref<1024x256xf32, #tpu.memory_space<vmem>>, vector<1024x256xf32>
    tpu.vector_store %arg4[%swap3A, %swap3A_11], %add3A_10 {strides = array<i32>} : memref<1024x256xf32, #tpu.memory_space<vmem>>, vector<1024x256xf32>,
    %convert_element_type3A_13 = arith.truncf %add3A_10 : vector<1024x256xf32> to vector<1024x256xbf16>
    %transpose3A = tpu.transpose %convert_element_type3A_13, [1, 0] : vector<1024x256xbf16> -> vector<256x1024xbf16>
    %swap3A_14 = arith.constant 0 : index
    %swap3A_15 = arith.constant 0 : index
    %swap3A_16 = vector.load %arg5[%swap3A_14, %swap3A_15] : memref<256x1024xbf16, #tpu.memory_space<vmem>>, vector<256x1024xbf16>
    tpu.vector_store %arg5[%swap3A_14, %swap3A_15], %transpose3A {strides = array<i32>} : memref<256x1024xbf16, #tpu.memory_space<vmem>>, vector<256x1024xbf16>,
    return
  }
  func.func @transform_0(%arg0: i32) -> (i32, i32) {
    %c0_i32 = arith.constant 0 : i32
    %c0_i32_0 = arith.constant 0 : i32
    return %arg0, %c0_i32 : i32, i32
  }
  func.func @transform_1(%arg0: i32) -> (i32, i32) {
    %c0_i32 = arith.constant 0 : i32
    %c0_i32_0 = arith.constant 0 : i32
    %c0_i32_1 = arith.constant 0 : i32
    return %c0_i32, %c0_i32_0 : i32, i32
  }
  func.func @transform_2(%arg0: i32) -> (i32, i32) {
    %c0_i32 = arith.constant 0 : i32
    %c0_i32_0 = arith.constant 0 : i32
    %c0_i32_1 = arith.constant 0 : i32
    return %c0_i32, %c0_i32_0 : i32, i32
  }
  func.func @transform_3(%arg0: i32) -> (i32, i32) {
    %c0_i32 = arith.constant 0 : i32
    %c0_i32_0 = arith.constant 0 : i32
    return %arg0, %c0_i32 : i32, i32
  }
  func.func @transform_4(%arg0: i32) -> (i32, i32) {
    %c0_i32 = arith.constant 0 : i32
    %c0_i32_0 = arith.constant 0 : i32
    return %c0_i32, %arg0 : i32, i32
  }
}

module attributes {stable_mosaic.version = 14 : i64} {
  func.func @_argmin_kernel(%arg0: i32, %arg1: memref<512x256xbf16, #tpu.memory_space<vmem>>, %arg2: memref<512x128xf32, #tpu.memory_space<vmem>>, %arg3: memref<256x8192xbf16, #tpu.memory_space<vmem>>, %arg4: memref<1x8192xf32, #tpu.memory_space<vmem>>, %arg5: memref<1x1x512xi32, #tpu.memory_space<vmem>>, %arg6: memref<512x128xf32, #tpu.memory_space<vmem>>, %arg7: memref<512x128xi32, #tpu.memory_space<vmem>>) attributes {dimension_semantics = [#tpu.dimension_semantics<arbitrary>], iteration_bounds = array<i64: 32>, scalar_prefetch = 0 : i64, scratch_operands = 2 : i64, tpu.core_type = #tpu.core_type<tc>, window_params = [{transform_indices = @transform_0, window_bounds = array<i64: 512, 256>}, {transform_indices = @transform_1, window_bounds = array<i64: 512, 128>}, {pipeline_mode = #tpu.pipeline_mode<synchronous>, transform_indices = @transform_2, window_bounds = array<i64: 256, 8192>}, {pipeline_mode = #tpu.pipeline_mode<synchronous>, transform_indices = @transform_3, window_bounds = array<i64: 1, 8192>}, {transform_indices = @transform_4, window_bounds = array<i64: 1, 1, 512>}]} {
    %get3A = arith.constant 0 : index
    %get3A_0 = arith.constant 0 : index
    %get3A_1 = vector.load %arg1[%get3A, %get3A_0] : memref<512x256xbf16, #tpu.memory_space<vmem>>, vector<512x256xbf16>
    %get3A_2 = arith.constant 0 : index
    %get3A_3 = arith.constant 0 : index
    %get3A_4 = vector.load %arg2[%get3A_2, %get3A_3] : memref<512x128xf32, #tpu.memory_space<vmem>>, vector<512x128xf32>
    %broadcast_in_dim3A = arith.constant 0x7F800000 : f32
    %broadcast_in_dim3A_5 = vector.broadcast %broadcast_in_dim3A : f32 to vector<512x128xf32>
    %swap3A = arith.constant 0 : index
    %swap3A_6 = arith.constant 0 : index
    %swap3A_7 = vector.load %arg6[%swap3A, %swap3A_6] : memref<512x128xf32, #tpu.memory_space<vmem>>, vector<512x128xf32>
    tpu.vector_store %arg6[%swap3A, %swap3A_6], %broadcast_in_dim3A_5 {strides = array<i32>} : memref<512x128xf32, #tpu.memory_space<vmem>>, vector<512x128xf32>,
    %broadcast_in_dim3A_8 = arith.constant 0 : i32
    %broadcast_in_dim3A_9 = vector.broadcast %broadcast_in_dim3A_8 : i32 to vector<512x128xi32>
    %swap3A_10 = arith.constant 0 : index
    %swap3A_11 = arith.constant 0 : index
    %swap3A_12 = vector.load %arg7[%swap3A_10, %swap3A_11] : memref<512x128xi32, #tpu.memory_space<vmem>>, vector<512x128xi32>
    tpu.vector_store %arg7[%swap3A_10, %swap3A_11], %broadcast_in_dim3A_9 {strides = array<i32>} : memref<512x128xi32, #tpu.memory_space<vmem>>, vector<512x128xi32>,
    %scan3A = arith.constant 0 : i32
    %scan3A_13 = arith.constant 16 : i32
    %scan3A_14 = arith.addi %scan3A, %scan3A_13 : i32
    %scan3A_15 = arith.constant 8 : i32
    scf.for %scan3A_44 = %scan3A to %scan3A_14 step %scan3A_15  : i32 {
      %mul3A_45 = arith.constant 512 : i32
      %mul3A_46 = arith.muli %scan3A_44, %mul3A_45 : i32
      %get3A_47 = arith.constant 0 : index
      %get3A_48 = arith.index_cast %mul3A_46 : i32 to index
      %get3A_49 = vector.load %arg3[%get3A_47, %get3A_48] : memref<256x8192xbf16, #tpu.memory_space<vmem>>, vector<256x512xbf16>
      %dot_general3A = arith.constant dense<0.000000e+00> : vector<512x512xf32>
      %dot_general3A_50 = tpu.matmul %get3A_1, %get3A_49, %dot_general3A {dimension_numbers = #tpu.dot_dimension_numbers<[1], [0], [0], [1], [0, 0, 1, 1], [], []>, transpose_lhs_hint = false} : vector<512x256xbf16>, vector<256x512xbf16>, vector<512x512xf32> -> vector<512x512xf32>
      %get3A_51 = arith.constant 0 : index
      %get3A_52 = arith.constant 0 : index
      %get3A_53 = vector.load %arg6[%get3A_51, %get3A_52] : memref<512x128xf32, #tpu.memory_space<vmem>>, vector<512x128xf32>
      %get3A_54 = arith.constant 0 : index
      %get3A_55 = arith.constant 0 : index
      %get3A_56 = vector.load %arg7[%get3A_54, %get3A_55] : memref<512x128xi32, #tpu.memory_space<vmem>>, vector<512x128xi32>
      %mul3A_57 = arith.constant 512 : i32
      %mul3A_58 = arith.muli %scan3A_44, %mul3A_57 : i32
      %add3A_59 = arith.constant 0 : i32
      %add3A_60 = arith.addi %mul3A_58, %add3A_59 : i32
      %get3A_61 = arith.constant 0 : index
      %get3A_62 = arith.index_cast %add3A_60 : i32 to index
      %get3A_63 = vector.load %arg4[%get3A_61, %get3A_62] : memref<1x8192xf32, #tpu.memory_space<vmem>>, vector<1x128xf32>
      %get3A_64 = vector.shape_cast %get3A_63 : vector<1x128xf32> to vector<128xf32>
      %broadcast_in_dim3A_65 = vector.shape_cast %get3A_64 : vector<128xf32> to vector<1x128xf32>
      %add3A_66 = vector.broadcast %broadcast_in_dim3A_65 : vector<1x128xf32> to vector<512x128xf32>
      %add3A_67 = arith.addf %get3A_4, %add3A_66 : vector<512x128xf32>
      %slice3A = vector.extract_strided_slice %dot_general3A_50 {offsets = [0, 0], sizes = [512, 128], strides = [1, 1]} : vector<512x512xf32> to vector<512x128xf32>
      %add3A_68 = arith.addf %add3A_67, %slice3A : vector<512x128xf32>
      %max3A = arith.constant 0.000000e+00 : f32
      %max3A_69 = vector.broadcast %max3A : f32 to vector<512x128xf32>
      %max3A_70 = arith.maximumf %add3A_68, %max3A_69 : vector<512x128xf32>
      %lt3A = arith.cmpf olt, %max3A_70, %get3A_53 : vector<512x128xf32>
      %select_n3A_71 = arith.select %lt3A, %max3A_70, %get3A_53 : vector<512x128xi1>, vector<512x128xf32>
      %mul3A_72 = arith.constant 4 : i32
      %mul3A_73 = arith.muli %scan3A_44, %mul3A_72 : i32
      %add3A_74 = arith.constant 0 : i32
      %add3A_75 = arith.addi %mul3A_73, %add3A_74 : i32
      %broadcast_in_dim3A_76 = vector.broadcast %add3A_75 : i32 to vector<512x128xi32>
      %select_n3A_77 = arith.select %lt3A, %broadcast_in_dim3A_76, %get3A_56 : vector<512x128xi1>, vector<512x128xi32>
      %mul3A_78 = arith.constant 512 : i32
      %mul3A_79 = arith.muli %scan3A_44, %mul3A_78 : i32
      %add3A_80 = arith.constant 128 : i32
      %add3A_81 = arith.addi %mul3A_79, %add3A_80 : i32
      %get3A_82 = arith.constant 0 : index
      %get3A_83 = arith.index_cast %add3A_81 : i32 to index
      %get3A_84 = vector.load %arg4[%get3A_82, %get3A_83] : memref<1x8192xf32, #tpu.memory_space<vmem>>, vector<1x128xf32>
      %get3A_85 = vector.shape_cast %get3A_84 : vector<1x128xf32> to vector<128xf32>
      %broadcast_in_dim3A_86 = vector.shape_cast %get3A_85 : vector<128xf32> to vector<1x128xf32>
      %add3A_87 = vector.broadcast %broadcast_in_dim3A_86 : vector<1x128xf32> to vector<512x128xf32>
      %add3A_88 = arith.addf %get3A_4, %add3A_87 : vector<512x128xf32>
      %slice3A_89 = vector.extract_strided_slice %dot_general3A_50 {offsets = [0, 128], sizes = [512, 128], strides = [1, 1]} : vector<512x512xf32> to vector<512x128xf32>
      %add3A_90 = arith.addf %add3A_88, %slice3A_89 : vector<512x128xf32>
      %max3A_91 = arith.constant 0.000000e+00 : f32
      %max3A_92 = vector.broadcast %max3A_91 : f32 to vector<512x128xf32>
      %max3A_93 = arith.maximumf %add3A_90, %max3A_92 : vector<512x128xf32>
      %lt3A_94 = arith.cmpf olt, %max3A_93, %select_n3A_71 : vector<512x128xf32>
      %select_n3A_95 = arith.select %lt3A_94, %max3A_93, %select_n3A_71 : vector<512x128xi1>, vector<512x128xf32>
      %mul3A_96 = arith.constant 4 : i32
      %mul3A_97 = arith.muli %scan3A_44, %mul3A_96 : i32
      %add3A_98 = arith.constant 1 : i32
      %add3A_99 = arith.addi %mul3A_97, %add3A_98 : i32
      %broadcast_in_dim3A_100 = vector.broadcast %add3A_99 : i32 to vector<512x128xi32>
      %select_n3A_101 = arith.select %lt3A_94, %broadcast_in_dim3A_100, %select_n3A_77 : vector<512x128xi1>, vector<512x128xi32>
      %mul3A_102 = arith.constant 512 : i32
      %mul3A_103 = arith.muli %scan3A_44, %mul3A_102 : i32
      %add3A_104 = arith.constant 256 : i32
      %add3A_105 = arith.addi %mul3A_103, %add3A_104 : i32
      %get3A_106 = arith.constant 0 : index
      %get3A_107 = arith.index_cast %add3A_105 : i32 to index
      %get3A_108 = vector.load %arg4[%get3A_106, %get3A_107] : memref<1x8192xf32, #tpu.memory_space<vmem>>, vector<1x128xf32>
      %get3A_109 = vector.shape_cast %get3A_108 : vector<1x128xf32> to vector<128xf32>
      %broadcast_in_dim3A_110 = vector.shape_cast %get3A_109 : vector<128xf32> to vector<1x128xf32>
      %add3A_111 = vector.broadcast %broadcast_in_dim3A_110 : vector<1x128xf32> to vector<512x128xf32>
      %add3A_112 = arith.addf %get3A_4, %add3A_111 : vector<512x128xf32>
      %slice3A_113 = vector.extract_strided_slice %dot_general3A_50 {offsets = [0, 256], sizes = [512, 128], strides = [1, 1]} : vector<512x512xf32> to vector<512x128xf32>
      %add3A_114 = arith.addf %add3A_112, %slice3A_113 : vector<512x128xf32>
      %max3A_115 = arith.constant 0.000000e+00 : f32
      %max3A_116 = vector.broadcast %max3A_115 : f32 to vector<512x128xf32>
      %max3A_117 = arith.maximumf %add3A_114, %max3A_116 : vector<512x128xf32>
      %lt3A_118 = arith.cmpf olt, %max3A_117, %select_n3A_95 : vector<512x128xf32>
      %select_n3A_119 = arith.select %lt3A_118, %max3A_117, %select_n3A_95 : vector<512x128xi1>, vector<512x128xf32>
      %mul3A_120 = arith.constant 4 : i32
      %mul3A_121 = arith.muli %scan3A_44, %mul3A_120 : i32
      %add3A_122 = arith.constant 2 : i32
      %add3A_123 = arith.addi %mul3A_121, %add3A_122 : i32
      %broadcast_in_dim3A_124 = vector.broadcast %add3A_123 : i32 to vector<512x128xi32>
      %select_n3A_125 = arith.select %lt3A_118, %broadcast_in_dim3A_124, %select_n3A_101 : vector<512x128xi1>, vector<512x128xi32>
      %mul3A_126 = arith.constant 512 : i32
      %mul3A_127 = arith.muli %scan3A_44, %mul3A_126 : i32
      %add3A_128 = arith.constant 384 : i32
      %add3A_129 = arith.addi %mul3A_127, %add3A_128 : i32
      %get3A_130 = arith.constant 0 : index
      %get3A_131 = arith.index_cast %add3A_129 : i32 to index
      %get3A_132 = vector.load %arg4[%get3A_130, %get3A_131] : memref<1x8192xf32, #tpu.memory_space<vmem>>, vector<1x128xf32>
      %get3A_133 = vector.shape_cast %get3A_132 : vector<1x128xf32> to vector<128xf32>
      %broadcast_in_dim3A_134 = vector.shape_cast %get3A_133 : vector<128xf32> to vector<1x128xf32>
      %add3A_135 = vector.broadcast %broadcast_in_dim3A_134 : vector<1x128xf32> to vector<512x128xf32>
      %add3A_136 = arith.addf %get3A_4, %add3A_135 : vector<512x128xf32>
      %slice3A_137 = vector.extract_strided_slice %dot_general3A_50 {offsets = [0, 384], sizes = [512, 128], strides = [1, 1]} : vector<512x512xf32> to vector<512x128xf32>
      %add3A_138 = arith.addf %add3A_136, %slice3A_137 : vector<512x128xf32>
      %max3A_139 = arith.constant 0.000000e+00 : f32
      %max3A_140 = vector.broadcast %max3A_139 : f32 to vector<512x128xf32>
      %max3A_141 = arith.maximumf %add3A_138, %max3A_140 : vector<512x128xf32>
      %lt3A_142 = arith.cmpf olt, %max3A_141, %select_n3A_119 : vector<512x128xf32>
      %select_n3A_143 = arith.select %lt3A_142, %max3A_141, %select_n3A_119 : vector<512x128xi1>, vector<512x128xf32>
      %mul3A_144 = arith.constant 4 : i32
      %mul3A_145 = arith.muli %scan3A_44, %mul3A_144 : i32
      %add3A_146 = arith.constant 3 : i32
      %add3A_147 = arith.addi %mul3A_145, %add3A_146 : i32
      %broadcast_in_dim3A_148 = vector.broadcast %add3A_147 : i32 to vector<512x128xi32>
      %select_n3A_149 = arith.select %lt3A_142, %broadcast_in_dim3A_148, %select_n3A_125 : vector<512x128xi1>, vector<512x128xi32>
      %swap3A_150 = arith.constant 0 : index
      %swap3A_151 = arith.constant 0 : index
      %swap3A_152 = vector.load %arg6[%swap3A_150, %swap3A_151] : memref<512x128xf32, #tpu.memory_space<vmem>>, vector<512x128xf32>
      tpu.vector_store %arg6[%swap3A_150, %swap3A_151], %select_n3A_143 {strides = array<i32>} : memref<512x128xf32, #tpu.memory_space<vmem>>, vector<512x128xf32>,
      %swap3A_153 = arith.constant 0 : index
      %swap3A_154 = arith.constant 0 : index
      %swap3A_155 = vector.load %arg7[%swap3A_153, %swap3A_154] : memref<512x128xi32, #tpu.memory_space<vmem>>, vector<512x128xi32>
      tpu.vector_store %arg7[%swap3A_153, %swap3A_154], %select_n3A_149 {strides = array<i32>} : memref<512x128xi32, #tpu.memory_space<vmem>>, vector<512x128xi32>,
      %scan3A_156 = arith.constant 1 : i32
      %scan3A_157 = arith.addi %scan3A_44, %scan3A_156 : i32
      %mul3A_158 = arith.constant 512 : i32
      %mul3A_159 = arith.muli %scan3A_157, %mul3A_158 : i32
      %get3A_160 = arith.constant 0 : index
      %get3A_161 = arith.index_cast %mul3A_159 : i32 to index
      %get3A_162 = vector.load %arg3[%get3A_160, %get3A_161] : memref<256x8192xbf16, #tpu.memory_space<vmem>>, vector<256x512xbf16>
      %dot_general3A_163 = arith.constant dense<0.000000e+00> : vector<512x512xf32>
      %dot_general3A_164 = tpu.matmul %get3A_1, %get3A_162, %dot_general3A_163 {dimension_numbers = #tpu.dot_dimension_numbers<[1], [0], [0], [1], [0, 0, 1, 1], [], []>, transpose_lhs_hint = false} : vector<512x256xbf16>, vector<256x512xbf16>, vector<512x512xf32> -> vector<512x512xf32>
      %get3A_165 = arith.constant 0 : index
      %get3A_166 = arith.constant 0 : index
      %get3A_167 = vector.load %arg6[%get3A_165, %get3A_166] : memref<512x128xf32, #tpu.memory_space<vmem>>, vector<512x128xf32>
      %get3A_168 = arith.constant 0 : index
      %get3A_169 = arith.constant 0 : index
      %get3A_170 = vector.load %arg7[%get3A_168, %get3A_169] : memref<512x128xi32, #tpu.memory_space<vmem>>, vector<512x128xi32>
      %mul3A_171 = arith.constant 512 : i32
      %mul3A_172 = arith.muli %scan3A_157, %mul3A_171 : i32
      %add3A_173 = arith.constant 0 : i32
      %add3A_174 = arith.addi %mul3A_172, %add3A_173 : i32
      %get3A_175 = arith.constant 0 : index
      %get3A_176 = arith.index_cast %add3A_174 : i32 to index
      %get3A_177 = vector.load %arg4[%get3A_175, %get3A_176] : memref<1x8192xf32, #tpu.memory_space<vmem>>, vector<1x128xf32>
      %get3A_178 = vector.shape_cast %get3A_177 : vector<1x128xf32> to vector<128xf32>
      %broadcast_in_dim3A_179 = vector.shape_cast %get3A_178 : vector<128xf32> to vector<1x128xf32>
      %add3A_180 = vector.broadcast %broadcast_in_dim3A_179 : vector<1x128xf32> to vector<512x128xf32>
      %add3A_181 = arith.addf %get3A_4, %add3A_180 : vector<512x128xf32>
      %slice3A_182 = vector.extract_strided_slice %dot_general3A_164 {offsets = [0, 0], sizes = [512, 128], strides = [1, 1]} : vector<512x512xf32> to vector<512x128xf32>
      %add3A_183 = arith.addf %add3A_181, %slice3A_182 : vector<512x128xf32>
      %max3A_184 = arith.constant 0.000000e+00 : f32
      %max3A_185 = vector.broadcast %max3A_184 : f32 to vector<512x128xf32>
      %max3A_186 = arith.maximumf %add3A_183, %max3A_185 : vector<512x128xf32>
      %lt3A_187 = arith.cmpf olt, %max3A_186, %get3A_167 : vector<512x128xf32>
      %select_n3A_188 = arith.select %lt3A_187, %max3A_186, %get3A_167 : vector<512x128xi1>, vector<512x128xf32>
      %mul3A_189 = arith.constant 4 : i32
      %mul3A_190 = arith.muli %scan3A_157, %mul3A_189 : i32
      %add3A_191 = arith.constant 0 : i32
      %add3A_192 = arith.addi %mul3A_190, %add3A_191 : i32
      %broadcast_in_dim3A_193 = vector.broadcast %add3A_192 : i32 to vector<512x128xi32>
      %select_n3A_194 = arith.select %lt3A_187, %broadcast_in_dim3A_193, %get3A_170 : vector<512x128xi1>, vector<512x128xi32>
      %mul3A_195 = arith.constant 512 : i32
      %mul3A_196 = arith.muli %scan3A_157, %mul3A_195 : i32
      %add3A_197 = arith.constant 128 : i32
      %add3A_198 = arith.addi %mul3A_196, %add3A_197 : i32
      %get3A_199 = arith.constant 0 : index
      %get3A_200 = arith.index_cast %add3A_198 : i32 to index
      %get3A_201 = vector.load %arg4[%get3A_199, %get3A_200] : memref<1x8192xf32, #tpu.memory_space<vmem>>, vector<1x128xf32>
      %get3A_202 = vector.shape_cast %get3A_201 : vector<1x128xf32> to vector<128xf32>
      %broadcast_in_dim3A_203 = vector.shape_cast %get3A_202 : vector<128xf32> to vector<1x128xf32>
      %add3A_204 = vector.broadcast %broadcast_in_dim3A_203 : vector<1x128xf32> to vector<512x128xf32>
      %add3A_205 = arith.addf %get3A_4, %add3A_204 : vector<512x128xf32>
      %slice3A_206 = vector.extract_strided_slice %dot_general3A_164 {offsets = [0, 128], sizes = [512, 128], strides = [1, 1]} : vector<512x512xf32> to vector<512x128xf32>
      %add3A_207 = arith.addf %add3A_205, %slice3A_206 : vector<512x128xf32>
      %max3A_208 = arith.constant 0.000000e+00 : f32
      %max3A_209 = vector.broadcast %max3A_208 : f32 to vector<512x128xf32>
      %max3A_210 = arith.maximumf %add3A_207, %max3A_209 : vector<512x128xf32>
      %lt3A_211 = arith.cmpf olt, %max3A_210, %select_n3A_188 : vector<512x128xf32>
      %select_n3A_212 = arith.select %lt3A_211, %max3A_210, %select_n3A_188 : vector<512x128xi1>, vector<512x128xf32>
      %mul3A_213 = arith.constant 4 : i32
      %mul3A_214 = arith.muli %scan3A_157, %mul3A_213 : i32
      %add3A_215 = arith.constant 1 : i32
      %add3A_216 = arith.addi %mul3A_214, %add3A_215 : i32
      %broadcast_in_dim3A_217 = vector.broadcast %add3A_216 : i32 to vector<512x128xi32>
      %select_n3A_218 = arith.select %lt3A_211, %broadcast_in_dim3A_217, %select_n3A_194 : vector<512x128xi1>, vector<512x128xi32>
      %mul3A_219 = arith.constant 512 : i32
      %mul3A_220 = arith.muli %scan3A_157, %mul3A_219 : i32
      %add3A_221 = arith.constant 256 : i32
      %add3A_222 = arith.addi %mul3A_220, %add3A_221 : i32
      %get3A_223 = arith.constant 0 : index
      %get3A_224 = arith.index_cast %add3A_222 : i32 to index
      %get3A_225 = vector.load %arg4[%get3A_223, %get3A_224] : memref<1x8192xf32, #tpu.memory_space<vmem>>, vector<1x128xf32>
      %get3A_226 = vector.shape_cast %get3A_225 : vector<1x128xf32> to vector<128xf32>
      %broadcast_in_dim3A_227 = vector.shape_cast %get3A_226 : vector<128xf32> to vector<1x128xf32>
      %add3A_228 = vector.broadcast %broadcast_in_dim3A_227 : vector<1x128xf32> to vector<512x128xf32>
      %add3A_229 = arith.addf %get3A_4, %add3A_228 : vector<512x128xf32>
      %slice3A_230 = vector.extract_strided_slice %dot_general3A_164 {offsets = [0, 256], sizes = [512, 128], strides = [1, 1]} : vector<512x512xf32> to vector<512x128xf32>
      %add3A_231 = arith.addf %add3A_229, %slice3A_230 : vector<512x128xf32>
      %max3A_232 = arith.constant 0.000000e+00 : f32
      %max3A_233 = vector.broadcast %max3A_232 : f32 to vector<512x128xf32>
      %max3A_234 = arith.maximumf %add3A_231, %max3A_233 : vector<512x128xf32>
      %lt3A_235 = arith.cmpf olt, %max3A_234, %select_n3A_212 : vector<512x128xf32>
      %select_n3A_236 = arith.select %lt3A_235, %max3A_234, %select_n3A_212 : vector<512x128xi1>, vector<512x128xf32>
      %mul3A_237 = arith.constant 4 : i32
      %mul3A_238 = arith.muli %scan3A_157, %mul3A_237 : i32
      %add3A_239 = arith.constant 2 : i32
      %add3A_240 = arith.addi %mul3A_238, %add3A_239 : i32
      %broadcast_in_dim3A_241 = vector.broadcast %add3A_240 : i32 to vector<512x128xi32>
      %select_n3A_242 = arith.select %lt3A_235, %broadcast_in_dim3A_241, %select_n3A_218 : vector<512x128xi1>, vector<512x128xi32>
      %mul3A_243 = arith.constant 512 : i32
      %mul3A_244 = arith.muli %scan3A_157, %mul3A_243 : i32
      %add3A_245 = arith.constant 384 : i32
      %add3A_246 = arith.addi %mul3A_244, %add3A_245 : i32
      %get3A_247 = arith.constant 0 : index
      %get3A_248 = arith.index_cast %add3A_246 : i32 to index
      %get3A_249 = vector.load %arg4[%get3A_247, %get3A_248] : memref<1x8192xf32, #tpu.memory_space<vmem>>, vector<1x128xf32>
      %get3A_250 = vector.shape_cast %get3A_249 : vector<1x128xf32> to vector<128xf32>
      %broadcast_in_dim3A_251 = vector.shape_cast %get3A_250 : vector<128xf32> to vector<1x128xf32>
      %add3A_252 = vector.broadcast %broadcast_in_dim3A_251 : vector<1x128xf32> to vector<512x128xf32>
      %add3A_253 = arith.addf %get3A_4, %add3A_252 : vector<512x128xf32>
      %slice3A_254 = vector.extract_strided_slice %dot_general3A_164 {offsets = [0, 384], sizes = [512, 128], strides = [1, 1]} : vector<512x512xf32> to vector<512x128xf32>
      %add3A_255 = arith.addf %add3A_253, %slice3A_254 : vector<512x128xf32>
      %max3A_256 = arith.constant 0.000000e+00 : f32
      %max3A_257 = vector.broadcast %max3A_256 : f32 to vector<512x128xf32>
      %max3A_258 = arith.maximumf %add3A_255, %max3A_257 : vector<512x128xf32>
      %lt3A_259 = arith.cmpf olt, %max3A_258, %select_n3A_236 : vector<512x128xf32>
      %select_n3A_260 = arith.select %lt3A_259, %max3A_258, %select_n3A_236 : vector<512x128xi1>, vector<512x128xf32>
      %mul3A_261 = arith.constant 4 : i32
      %mul3A_262 = arith.muli %scan3A_157, %mul3A_261 : i32
      %add3A_263 = arith.constant 3 : i32
      %add3A_264 = arith.addi %mul3A_262, %add3A_263 : i32
      %broadcast_in_dim3A_265 = vector.broadcast %add3A_264 : i32 to vector<512x128xi32>
      %select_n3A_266 = arith.select %lt3A_259, %broadcast_in_dim3A_265, %select_n3A_242 : vector<512x128xi1>, vector<512x128xi32>
      %swap3A_267 = arith.constant 0 : index
      %swap3A_268 = arith.constant 0 : index
      %swap3A_269 = vector.load %arg6[%swap3A_267, %swap3A_268] : memref<512x128xf32, #tpu.memory_space<vmem>>, vector<512x128xf32>
      tpu.vector_store %arg6[%swap3A_267, %swap3A_268], %select_n3A_260 {strides = array<i32>} : memref<512x128xf32, #tpu.memory_space<vmem>>, vector<512x128xf32>,
      %swap3A_270 = arith.constant 0 : index
      %swap3A_271 = arith.constant 0 : index
      %swap3A_272 = vector.load %arg7[%swap3A_270, %swap3A_271] : memref<512x128xi32, #tpu.memory_space<vmem>>, vector<512x128xi32>
      tpu.vector_store %arg7[%swap3A_270, %swap3A_271], %select_n3A_266 {strides = array<i32>} : memref<512x128xi32, #tpu.memory_space<vmem>>, vector<512x128xi32>,
      %scan3A_273 = arith.constant 2 : i32
      %scan3A_274 = arith.addi %scan3A_44, %scan3A_273 : i32
      %mul3A_275 = arith.constant 512 : i32
      %mul3A_276 = arith.muli %scan3A_274, %mul3A_275 : i32
      %get3A_277 = arith.constant 0 : index
      %get3A_278 = arith.index_cast %mul3A_276 : i32 to index
      %get3A_279 = vector.load %arg3[%get3A_277, %get3A_278] : memref<256x8192xbf16, #tpu.memory_space<vmem>>, vector<256x512xbf16>
      %dot_general3A_280 = arith.constant dense<0.000000e+00> : vector<512x512xf32>
      %dot_general3A_281 = tpu.matmul %get3A_1, %get3A_279, %dot_general3A_280 {dimension_numbers = #tpu.dot_dimension_numbers<[1], [0], [0], [1], [0, 0, 1, 1], [], []>, transpose_lhs_hint = false} : vector<512x256xbf16>, vector<256x512xbf16>, vector<512x512xf32> -> vector<512x512xf32>
      %get3A_282 = arith.constant 0 : index
      %get3A_283 = arith.constant 0 : index
      %get3A_284 = vector.load %arg6[%get3A_282, %get3A_283] : memref<512x128xf32, #tpu.memory_space<vmem>>, vector<512x128xf32>
      %get3A_285 = arith.constant 0 : index
      %get3A_286 = arith.constant 0 : index
      %get3A_287 = vector.load %arg7[%get3A_285, %get3A_286] : memref<512x128xi32, #tpu.memory_space<vmem>>, vector<512x128xi32>
      %mul3A_288 = arith.constant 512 : i32
      %mul3A_289 = arith.muli %scan3A_274, %mul3A_288 : i32
      %add3A_290 = arith.constant 0 : i32
      %add3A_291 = arith.addi %mul3A_289, %add3A_290 : i32
      %get3A_292 = arith.constant 0 : index
      %get3A_293 = arith.index_cast %add3A_291 : i32 to index
      %get3A_294 = vector.load %arg4[%get3A_292, %get3A_293] : memref<1x8192xf32, #tpu.memory_space<vmem>>, vector<1x128xf32>
      %get3A_295 = vector.shape_cast %get3A_294 : vector<1x128xf32> to vector<128xf32>
      %broadcast_in_dim3A_296 = vector.shape_cast %get3A_295 : vector<128xf32> to vector<1x128xf32>
      %add3A_297 = vector.broadcast %broadcast_in_dim3A_296 : vector<1x128xf32> to vector<512x128xf32>
      %add3A_298 = arith.addf %get3A_4, %add3A_297 : vector<512x128xf32>
      %slice3A_299 = vector.extract_strided_slice %dot_general3A_281 {offsets = [0, 0], sizes = [512, 128], strides = [1, 1]} : vector<512x512xf32> to vector<512x128xf32>
      %add3A_300 = arith.addf %add3A_298, %slice3A_299 : vector<512x128xf32>
      %max3A_301 = arith.constant 0.000000e+00 : f32
      %max3A_302 = vector.broadcast %max3A_301 : f32 to vector<512x128xf32>
      %max3A_303 = arith.maximumf %add3A_300, %max3A_302 : vector<512x128xf32>
      %lt3A_304 = arith.cmpf olt, %max3A_303, %get3A_284 : vector<512x128xf32>
      %select_n3A_305 = arith.select %lt3A_304, %max3A_303, %get3A_284 : vector<512x128xi1>, vector<512x128xf32>
      %mul3A_306 = arith.constant 4 : i32
      %mul3A_307 = arith.muli %scan3A_274, %mul3A_306 : i32
      %add3A_308 = arith.constant 0 : i32
      %add3A_309 = arith.addi %mul3A_307, %add3A_308 : i32
      %broadcast_in_dim3A_310 = vector.broadcast %add3A_309 : i32 to vector<512x128xi32>
      %select_n3A_311 = arith.select %lt3A_304, %broadcast_in_dim3A_310, %get3A_287 : vector<512x128xi1>, vector<512x128xi32>
      %mul3A_312 = arith.constant 512 : i32
      %mul3A_313 = arith.muli %scan3A_274, %mul3A_312 : i32
      %add3A_314 = arith.constant 128 : i32
      %add3A_315 = arith.addi %mul3A_313, %add3A_314 : i32
      %get3A_316 = arith.constant 0 : index
      %get3A_317 = arith.index_cast %add3A_315 : i32 to index
      %get3A_318 = vector.load %arg4[%get3A_316, %get3A_317] : memref<1x8192xf32, #tpu.memory_space<vmem>>, vector<1x128xf32>
      %get3A_319 = vector.shape_cast %get3A_318 : vector<1x128xf32> to vector<128xf32>
      %broadcast_in_dim3A_320 = vector.shape_cast %get3A_319 : vector<128xf32> to vector<1x128xf32>
      %add3A_321 = vector.broadcast %broadcast_in_dim3A_320 : vector<1x128xf32> to vector<512x128xf32>
      %add3A_322 = arith.addf %get3A_4, %add3A_321 : vector<512x128xf32>
      %slice3A_323 = vector.extract_strided_slice %dot_general3A_281 {offsets = [0, 128], sizes = [512, 128], strides = [1, 1]} : vector<512x512xf32> to vector<512x128xf32>
      %add3A_324 = arith.addf %add3A_322, %slice3A_323 : vector<512x128xf32>
      %max3A_325 = arith.constant 0.000000e+00 : f32
      %max3A_326 = vector.broadcast %max3A_325 : f32 to vector<512x128xf32>
      %max3A_327 = arith.maximumf %add3A_324, %max3A_326 : vector<512x128xf32>
      %lt3A_328 = arith.cmpf olt, %max3A_327, %select_n3A_305 : vector<512x128xf32>
      %select_n3A_329 = arith.select %lt3A_328, %max3A_327, %select_n3A_305 : vector<512x128xi1>, vector<512x128xf32>
      %mul3A_330 = arith.constant 4 : i32
      %mul3A_331 = arith.muli %scan3A_274, %mul3A_330 : i32
      %add3A_332 = arith.constant 1 : i32
      %add3A_333 = arith.addi %mul3A_331, %add3A_332 : i32
      %broadcast_in_dim3A_334 = vector.broadcast %add3A_333 : i32 to vector<512x128xi32>
      %select_n3A_335 = arith.select %lt3A_328, %broadcast_in_dim3A_334, %select_n3A_311 : vector<512x128xi1>, vector<512x128xi32>
      %mul3A_336 = arith.constant 512 : i32
      %mul3A_337 = arith.muli %scan3A_274, %mul3A_336 : i32
      %add3A_338 = arith.constant 256 : i32
      %add3A_339 = arith.addi %mul3A_337, %add3A_338 : i32
      %get3A_340 = arith.constant 0 : index
      %get3A_341 = arith.index_cast %add3A_339 : i32 to index
      %get3A_342 = vector.load %arg4[%get3A_340, %get3A_341] : memref<1x8192xf32, #tpu.memory_space<vmem>>, vector<1x128xf32>
      %get3A_343 = vector.shape_cast %get3A_342 : vector<1x128xf32> to vector<128xf32>
      %broadcast_in_dim3A_344 = vector.shape_cast %get3A_343 : vector<128xf32> to vector<1x128xf32>
      %add3A_345 = vector.broadcast %broadcast_in_dim3A_344 : vector<1x128xf32> to vector<512x128xf32>
      %add3A_346 = arith.addf %get3A_4, %add3A_345 : vector<512x128xf32>
      %slice3A_347 = vector.extract_strided_slice %dot_general3A_281 {offsets = [0, 256], sizes = [512, 128], strides = [1, 1]} : vector<512x512xf32> to vector<512x128xf32>
      %add3A_348 = arith.addf %add3A_346, %slice3A_347 : vector<512x128xf32>
      %max3A_349 = arith.constant 0.000000e+00 : f32
      %max3A_350 = vector.broadcast %max3A_349 : f32 to vector<512x128xf32>
      %max3A_351 = arith.maximumf %add3A_348, %max3A_350 : vector<512x128xf32>
      %lt3A_352 = arith.cmpf olt, %max3A_351, %select_n3A_329 : vector<512x128xf32>
      %select_n3A_353 = arith.select %lt3A_352, %max3A_351, %select_n3A_329 : vector<512x128xi1>, vector<512x128xf32>
      %mul3A_354 = arith.constant 4 : i32
      %mul3A_355 = arith.muli %scan3A_274, %mul3A_354 : i32
      %add3A_356 = arith.constant 2 : i32
      %add3A_357 = arith.addi %mul3A_355, %add3A_356 : i32
      %broadcast_in_dim3A_358 = vector.broadcast %add3A_357 : i32 to vector<512x128xi32>
      %select_n3A_359 = arith.select %lt3A_352, %broadcast_in_dim3A_358, %select_n3A_335 : vector<512x128xi1>, vector<512x128xi32>
      %mul3A_360 = arith.constant 512 : i32
      %mul3A_361 = arith.muli %scan3A_274, %mul3A_360 : i32
      %add3A_362 = arith.constant 384 : i32
      %add3A_363 = arith.addi %mul3A_361, %add3A_362 : i32
      %get3A_364 = arith.constant 0 : index
      %get3A_365 = arith.index_cast %add3A_363 : i32 to index
      %get3A_366 = vector.load %arg4[%get3A_364, %get3A_365] : memref<1x8192xf32, #tpu.memory_space<vmem>>, vector<1x128xf32>
      %get3A_367 = vector.shape_cast %get3A_366 : vector<1x128xf32> to vector<128xf32>
      %broadcast_in_dim3A_368 = vector.shape_cast %get3A_367 : vector<128xf32> to vector<1x128xf32>
      %add3A_369 = vector.broadcast %broadcast_in_dim3A_368 : vector<1x128xf32> to vector<512x128xf32>
      %add3A_370 = arith.addf %get3A_4, %add3A_369 : vector<512x128xf32>
      %slice3A_371 = vector.extract_strided_slice %dot_general3A_281 {offsets = [0, 384], sizes = [512, 128], strides = [1, 1]} : vector<512x512xf32> to vector<512x128xf32>
      %add3A_372 = arith.addf %add3A_370, %slice3A_371 : vector<512x128xf32>
      %max3A_373 = arith.constant 0.000000e+00 : f32
      %max3A_374 = vector.broadcast %max3A_373 : f32 to vector<512x128xf32>
      %max3A_375 = arith.maximumf %add3A_372, %max3A_374 : vector<512x128xf32>
      %lt3A_376 = arith.cmpf olt, %max3A_375, %select_n3A_353 : vector<512x128xf32>
      %select_n3A_377 = arith.select %lt3A_376, %max3A_375, %select_n3A_353 : vector<512x128xi1>, vector<512x128xf32>
      %mul3A_378 = arith.constant 4 : i32
      %mul3A_379 = arith.muli %scan3A_274, %mul3A_378 : i32
      %add3A_380 = arith.constant 3 : i32
      %add3A_381 = arith.addi %mul3A_379, %add3A_380 : i32
      %broadcast_in_dim3A_382 = vector.broadcast %add3A_381 : i32 to vector<512x128xi32>
      %select_n3A_383 = arith.select %lt3A_376, %broadcast_in_dim3A_382, %select_n3A_359 : vector<512x128xi1>, vector<512x128xi32>
      %swap3A_384 = arith.constant 0 : index
      %swap3A_385 = arith.constant 0 : index
      %swap3A_386 = vector.load %arg6[%swap3A_384, %swap3A_385] : memref<512x128xf32, #tpu.memory_space<vmem>>, vector<512x128xf32>
      tpu.vector_store %arg6[%swap3A_384, %swap3A_385], %select_n3A_377 {strides = array<i32>} : memref<512x128xf32, #tpu.memory_space<vmem>>, vector<512x128xf32>,
      %swap3A_387 = arith.constant 0 : index
      %swap3A_388 = arith.constant 0 : index
      %swap3A_389 = vector.load %arg7[%swap3A_387, %swap3A_388] : memref<512x128xi32, #tpu.memory_space<vmem>>, vector<512x128xi32>
      tpu.vector_store %arg7[%swap3A_387, %swap3A_388], %select_n3A_383 {strides = array<i32>} : memref<512x128xi32, #tpu.memory_space<vmem>>, vector<512x128xi32>,
      %scan3A_390 = arith.constant 3 : i32
      %scan3A_391 = arith.addi %scan3A_44, %scan3A_390 : i32
      %mul3A_392 = arith.constant 512 : i32
      %mul3A_393 = arith.muli %scan3A_391, %mul3A_392 : i32
      %get3A_394 = arith.constant 0 : index
      %get3A_395 = arith.index_cast %mul3A_393 : i32 to index
      %get3A_396 = vector.load %arg3[%get3A_394, %get3A_395] : memref<256x8192xbf16, #tpu.memory_space<vmem>>, vector<256x512xbf16>
      %dot_general3A_397 = arith.constant dense<0.000000e+00> : vector<512x512xf32>
      %dot_general3A_398 = tpu.matmul %get3A_1, %get3A_396, %dot_general3A_397 {dimension_numbers = #tpu.dot_dimension_numbers<[1], [0], [0], [1], [0, 0, 1, 1], [], []>, transpose_lhs_hint = false} : vector<512x256xbf16>, vector<256x512xbf16>, vector<512x512xf32> -> vector<512x512xf32>
      %get3A_399 = arith.constant 0 : index
      %get3A_400 = arith.constant 0 : index
      %get3A_401 = vector.load %arg6[%get3A_399, %get3A_400] : memref<512x128xf32, #tpu.memory_space<vmem>>, vector<512x128xf32>
      %get3A_402 = arith.constant 0 : index
      %get3A_403 = arith.constant 0 : index
      %get3A_404 = vector.load %arg7[%get3A_402, %get3A_403] : memref<512x128xi32, #tpu.memory_space<vmem>>, vector<512x128xi32>
      %mul3A_405 = arith.constant 512 : i32
      %mul3A_406 = arith.muli %scan3A_391, %mul3A_405 : i32
      %add3A_407 = arith.constant 0 : i32
      %add3A_408 = arith.addi %mul3A_406, %add3A_407 : i32
      %get3A_409 = arith.constant 0 : index
      %get3A_410 = arith.index_cast %add3A_408 : i32 to index
      %get3A_411 = vector.load %arg4[%get3A_409, %get3A_410] : memref<1x8192xf32, #tpu.memory_space<vmem>>, vector<1x128xf32>
      %get3A_412 = vector.shape_cast %get3A_411 : vector<1x128xf32> to vector<128xf32>
      %broadcast_in_dim3A_413 = vector.shape_cast %get3A_412 : vector<128xf32> to vector<1x128xf32>
      %add3A_414 = vector.broadcast %broadcast_in_dim3A_413 : vector<1x128xf32> to vector<512x128xf32>
      %add3A_415 = arith.addf %get3A_4, %add3A_414 : vector<512x128xf32>
      %slice3A_416 = vector.extract_strided_slice %dot_general3A_398 {offsets = [0, 0], sizes = [512, 128], strides = [1, 1]} : vector<512x512xf32> to vector<512x128xf32>
      %add3A_417 = arith.addf %add3A_415, %slice3A_416 : vector<512x128xf32>
      %max3A_418 = arith.constant 0.000000e+00 : f32
      %max3A_419 = vector.broadcast %max3A_418 : f32 to vector<512x128xf32>
      %max3A_420 = arith.maximumf %add3A_417, %max3A_419 : vector<512x128xf32>
      %lt3A_421 = arith.cmpf olt, %max3A_420, %get3A_401 : vector<512x128xf32>
      %select_n3A_422 = arith.select %lt3A_421, %max3A_420, %get3A_401 : vector<512x128xi1>, vector<512x128xf32>
      %mul3A_423 = arith.constant 4 : i32
      %mul3A_424 = arith.muli %scan3A_391, %mul3A_423 : i32
      %add3A_425 = arith.constant 0 : i32
      %add3A_426 = arith.addi %mul3A_424, %add3A_425 : i32
      %broadcast_in_dim3A_427 = vector.broadcast %add3A_426 : i32 to vector<512x128xi32>
      %select_n3A_428 = arith.select %lt3A_421, %broadcast_in_dim3A_427, %get3A_404 : vector<512x128xi1>, vector<512x128xi32>
      %mul3A_429 = arith.constant 512 : i32
      %mul3A_430 = arith.muli %scan3A_391, %mul3A_429 : i32
      %add3A_431 = arith.constant 128 : i32
      %add3A_432 = arith.addi %mul3A_430, %add3A_431 : i32
      %get3A_433 = arith.constant 0 : index
      %get3A_434 = arith.index_cast %add3A_432 : i32 to index
      %get3A_435 = vector.load %arg4[%get3A_433, %get3A_434] : memref<1x8192xf32, #tpu.memory_space<vmem>>, vector<1x128xf32>
      %get3A_436 = vector.shape_cast %get3A_435 : vector<1x128xf32> to vector<128xf32>
      %broadcast_in_dim3A_437 = vector.shape_cast %get3A_436 : vector<128xf32> to vector<1x128xf32>
      %add3A_438 = vector.broadcast %broadcast_in_dim3A_437 : vector<1x128xf32> to vector<512x128xf32>
      %add3A_439 = arith.addf %get3A_4, %add3A_438 : vector<512x128xf32>
      %slice3A_440 = vector.extract_strided_slice %dot_general3A_398 {offsets = [0, 128], sizes = [512, 128], strides = [1, 1]} : vector<512x512xf32> to vector<512x128xf32>
      %add3A_441 = arith.addf %add3A_439, %slice3A_440 : vector<512x128xf32>
      %max3A_442 = arith.constant 0.000000e+00 : f32
      %max3A_443 = vector.broadcast %max3A_442 : f32 to vector<512x128xf32>
      %max3A_444 = arith.maximumf %add3A_441, %max3A_443 : vector<512x128xf32>
      %lt3A_445 = arith.cmpf olt, %max3A_444, %select_n3A_422 : vector<512x128xf32>
      %select_n3A_446 = arith.select %lt3A_445, %max3A_444, %select_n3A_422 : vector<512x128xi1>, vector<512x128xf32>
      %mul3A_447 = arith.constant 4 : i32
      %mul3A_448 = arith.muli %scan3A_391, %mul3A_447 : i32
      %add3A_449 = arith.constant 1 : i32
      %add3A_450 = arith.addi %mul3A_448, %add3A_449 : i32
      %broadcast_in_dim3A_451 = vector.broadcast %add3A_450 : i32 to vector<512x128xi32>
      %select_n3A_452 = arith.select %lt3A_445, %broadcast_in_dim3A_451, %select_n3A_428 : vector<512x128xi1>, vector<512x128xi32>
      %mul3A_453 = arith.constant 512 : i32
      %mul3A_454 = arith.muli %scan3A_391, %mul3A_453 : i32
      %add3A_455 = arith.constant 256 : i32
      %add3A_456 = arith.addi %mul3A_454, %add3A_455 : i32
      %get3A_457 = arith.constant 0 : index
      %get3A_458 = arith.index_cast %add3A_456 : i32 to index
      %get3A_459 = vector.load %arg4[%get3A_457, %get3A_458] : memref<1x8192xf32, #tpu.memory_space<vmem>>, vector<1x128xf32>
      %get3A_460 = vector.shape_cast %get3A_459 : vector<1x128xf32> to vector<128xf32>
      %broadcast_in_dim3A_461 = vector.shape_cast %get3A_460 : vector<128xf32> to vector<1x128xf32>
      %add3A_462 = vector.broadcast %broadcast_in_dim3A_461 : vector<1x128xf32> to vector<512x128xf32>
      %add3A_463 = arith.addf %get3A_4, %add3A_462 : vector<512x128xf32>
      %slice3A_464 = vector.extract_strided_slice %dot_general3A_398 {offsets = [0, 256], sizes = [512, 128], strides = [1, 1]} : vector<512x512xf32> to vector<512x128xf32>
      %add3A_465 = arith.addf %add3A_463, %slice3A_464 : vector<512x128xf32>
      %max3A_466 = arith.constant 0.000000e+00 : f32
      %max3A_467 = vector.broadcast %max3A_466 : f32 to vector<512x128xf32>
      %max3A_468 = arith.maximumf %add3A_465, %max3A_467 : vector<512x128xf32>
      %lt3A_469 = arith.cmpf olt, %max3A_468, %select_n3A_446 : vector<512x128xf32>
      %select_n3A_470 = arith.select %lt3A_469, %max3A_468, %select_n3A_446 : vector<512x128xi1>, vector<512x128xf32>
      %mul3A_471 = arith.constant 4 : i32
      %mul3A_472 = arith.muli %scan3A_391, %mul3A_471 : i32
      %add3A_473 = arith.constant 2 : i32
      %add3A_474 = arith.addi %mul3A_472, %add3A_473 : i32
      %broadcast_in_dim3A_475 = vector.broadcast %add3A_474 : i32 to vector<512x128xi32>
      %select_n3A_476 = arith.select %lt3A_469, %broadcast_in_dim3A_475, %select_n3A_452 : vector<512x128xi1>, vector<512x128xi32>
      %mul3A_477 = arith.constant 512 : i32
      %mul3A_478 = arith.muli %scan3A_391, %mul3A_477 : i32
      %add3A_479 = arith.constant 384 : i32
      %add3A_480 = arith.addi %mul3A_478, %add3A_479 : i32
      %get3A_481 = arith.constant 0 : index
      %get3A_482 = arith.index_cast %add3A_480 : i32 to index
      %get3A_483 = vector.load %arg4[%get3A_481, %get3A_482] : memref<1x8192xf32, #tpu.memory_space<vmem>>, vector<1x128xf32>
      %get3A_484 = vector.shape_cast %get3A_483 : vector<1x128xf32> to vector<128xf32>
      %broadcast_in_dim3A_485 = vector.shape_cast %get3A_484 : vector<128xf32> to vector<1x128xf32>
      %add3A_486 = vector.broadcast %broadcast_in_dim3A_485 : vector<1x128xf32> to vector<512x128xf32>
      %add3A_487 = arith.addf %get3A_4, %add3A_486 : vector<512x128xf32>
      %slice3A_488 = vector.extract_strided_slice %dot_general3A_398 {offsets = [0, 384], sizes = [512, 128], strides = [1, 1]} : vector<512x512xf32> to vector<512x128xf32>
      %add3A_489 = arith.addf %add3A_487, %slice3A_488 : vector<512x128xf32>
      %max3A_490 = arith.constant 0.000000e+00 : f32
      %max3A_491 = vector.broadcast %max3A_490 : f32 to vector<512x128xf32>
      %max3A_492 = arith.maximumf %add3A_489, %max3A_491 : vector<512x128xf32>
      %lt3A_493 = arith.cmpf olt, %max3A_492, %select_n3A_470 : vector<512x128xf32>
      %select_n3A_494 = arith.select %lt3A_493, %max3A_492, %select_n3A_470 : vector<512x128xi1>, vector<512x128xf32>
      %mul3A_495 = arith.constant 4 : i32
      %mul3A_496 = arith.muli %scan3A_391, %mul3A_495 : i32
      %add3A_497 = arith.constant 3 : i32
      %add3A_498 = arith.addi %mul3A_496, %add3A_497 : i32
      %broadcast_in_dim3A_499 = vector.broadcast %add3A_498 : i32 to vector<512x128xi32>
      %select_n3A_500 = arith.select %lt3A_493, %broadcast_in_dim3A_499, %select_n3A_476 : vector<512x128xi1>, vector<512x128xi32>
      %swap3A_501 = arith.constant 0 : index
      %swap3A_502 = arith.constant 0 : index
      %swap3A_503 = vector.load %arg6[%swap3A_501, %swap3A_502] : memref<512x128xf32, #tpu.memory_space<vmem>>, vector<512x128xf32>
      tpu.vector_store %arg6[%swap3A_501, %swap3A_502], %select_n3A_494 {strides = array<i32>} : memref<512x128xf32, #tpu.memory_space<vmem>>, vector<512x128xf32>,
      %swap3A_504 = arith.constant 0 : index
      %swap3A_505 = arith.constant 0 : index
      %swap3A_506 = vector.load %arg7[%swap3A_504, %swap3A_505] : memref<512x128xi32, #tpu.memory_space<vmem>>, vector<512x128xi32>
      tpu.vector_store %arg7[%swap3A_504, %swap3A_505], %select_n3A_500 {strides = array<i32>} : memref<512x128xi32, #tpu.memory_space<vmem>>, vector<512x128xi32>,
      %scan3A_507 = arith.constant 4 : i32
      %scan3A_508 = arith.addi %scan3A_44, %scan3A_507 : i32
      %mul3A_509 = arith.constant 512 : i32
      %mul3A_510 = arith.muli %scan3A_508, %mul3A_509 : i32
      %get3A_511 = arith.constant 0 : index
      %get3A_512 = arith.index_cast %mul3A_510 : i32 to index
      %get3A_513 = vector.load %arg3[%get3A_511, %get3A_512] : memref<256x8192xbf16, #tpu.memory_space<vmem>>, vector<256x512xbf16>
      %dot_general3A_514 = arith.constant dense<0.000000e+00> : vector<512x512xf32>
      %dot_general3A_515 = tpu.matmul %get3A_1, %get3A_513, %dot_general3A_514 {dimension_numbers = #tpu.dot_dimension_numbers<[1], [0], [0], [1], [0, 0, 1, 1], [], []>, transpose_lhs_hint = false} : vector<512x256xbf16>, vector<256x512xbf16>, vector<512x512xf32> -> vector<512x512xf32>
      %get3A_516 = arith.constant 0 : index
      %get3A_517 = arith.constant 0 : index
      %get3A_518 = vector.load %arg6[%get3A_516, %get3A_517] : memref<512x128xf32, #tpu.memory_space<vmem>>, vector<512x128xf32>
      %get3A_519 = arith.constant 0 : index
      %get3A_520 = arith.constant 0 : index
      %get3A_521 = vector.load %arg7[%get3A_519, %get3A_520] : memref<512x128xi32, #tpu.memory_space<vmem>>, vector<512x128xi32>
      %mul3A_522 = arith.constant 512 : i32
      %mul3A_523 = arith.muli %scan3A_508, %mul3A_522 : i32
      %add3A_524 = arith.constant 0 : i32
      %add3A_525 = arith.addi %mul3A_523, %add3A_524 : i32
      %get3A_526 = arith.constant 0 : index
      %get3A_527 = arith.index_cast %add3A_525 : i32 to index
      %get3A_528 = vector.load %arg4[%get3A_526, %get3A_527] : memref<1x8192xf32, #tpu.memory_space<vmem>>, vector<1x128xf32>
      %get3A_529 = vector.shape_cast %get3A_528 : vector<1x128xf32> to vector<128xf32>
      %broadcast_in_dim3A_530 = vector.shape_cast %get3A_529 : vector<128xf32> to vector<1x128xf32>
      %add3A_531 = vector.broadcast %broadcast_in_dim3A_530 : vector<1x128xf32> to vector<512x128xf32>
      %add3A_532 = arith.addf %get3A_4, %add3A_531 : vector<512x128xf32>
      %slice3A_533 = vector.extract_strided_slice %dot_general3A_515 {offsets = [0, 0], sizes = [512, 128], strides = [1, 1]} : vector<512x512xf32> to vector<512x128xf32>
      %add3A_534 = arith.addf %add3A_532, %slice3A_533 : vector<512x128xf32>
      %max3A_535 = arith.constant 0.000000e+00 : f32
      %max3A_536 = vector.broadcast %max3A_535 : f32 to vector<512x128xf32>
      %max3A_537 = arith.maximumf %add3A_534, %max3A_536 : vector<512x128xf32>
      %lt3A_538 = arith.cmpf olt, %max3A_537, %get3A_518 : vector<512x128xf32>
      %select_n3A_539 = arith.select %lt3A_538, %max3A_537, %get3A_518 : vector<512x128xi1>, vector<512x128xf32>
      %mul3A_540 = arith.constant 4 : i32
      %mul3A_541 = arith.muli %scan3A_508, %mul3A_540 : i32
      %add3A_542 = arith.constant 0 : i32
      %add3A_543 = arith.addi %mul3A_541, %add3A_542 : i32
      %broadcast_in_dim3A_544 = vector.broadcast %add3A_543 : i32 to vector<512x128xi32>
      %select_n3A_545 = arith.select %lt3A_538, %broadcast_in_dim3A_544, %get3A_521 : vector<512x128xi1>, vector<512x128xi32>
      %mul3A_546 = arith.constant 512 : i32
      %mul3A_547 = arith.muli %scan3A_508, %mul3A_546 : i32
      %add3A_548 = arith.constant 128 : i32
      %add3A_549 = arith.addi %mul3A_547, %add3A_548 : i32
      %get3A_550 = arith.constant 0 : index
      %get3A_551 = arith.index_cast %add3A_549 : i32 to index
      %get3A_552 = vector.load %arg4[%get3A_550, %get3A_551] : memref<1x8192xf32, #tpu.memory_space<vmem>>, vector<1x128xf32>
      %get3A_553 = vector.shape_cast %get3A_552 : vector<1x128xf32> to vector<128xf32>
      %broadcast_in_dim3A_554 = vector.shape_cast %get3A_553 : vector<128xf32> to vector<1x128xf32>
      %add3A_555 = vector.broadcast %broadcast_in_dim3A_554 : vector<1x128xf32> to vector<512x128xf32>
      %add3A_556 = arith.addf %get3A_4, %add3A_555 : vector<512x128xf32>
      %slice3A_557 = vector.extract_strided_slice %dot_general3A_515 {offsets = [0, 128], sizes = [512, 128], strides = [1, 1]} : vector<512x512xf32> to vector<512x128xf32>
      %add3A_558 = arith.addf %add3A_556, %slice3A_557 : vector<512x128xf32>
      %max3A_559 = arith.constant 0.000000e+00 : f32
      %max3A_560 = vector.broadcast %max3A_559 : f32 to vector<512x128xf32>
      %max3A_561 = arith.maximumf %add3A_558, %max3A_560 : vector<512x128xf32>
      %lt3A_562 = arith.cmpf olt, %max3A_561, %select_n3A_539 : vector<512x128xf32>
      %select_n3A_563 = arith.select %lt3A_562, %max3A_561, %select_n3A_539 : vector<512x128xi1>, vector<512x128xf32>
      %mul3A_564 = arith.constant 4 : i32
      %mul3A_565 = arith.muli %scan3A_508, %mul3A_564 : i32
      %add3A_566 = arith.constant 1 : i32
      %add3A_567 = arith.addi %mul3A_565, %add3A_566 : i32
      %broadcast_in_dim3A_568 = vector.broadcast %add3A_567 : i32 to vector<512x128xi32>
      %select_n3A_569 = arith.select %lt3A_562, %broadcast_in_dim3A_568, %select_n3A_545 : vector<512x128xi1>, vector<512x128xi32>
      %mul3A_570 = arith.constant 512 : i32
      %mul3A_571 = arith.muli %scan3A_508, %mul3A_570 : i32
      %add3A_572 = arith.constant 256 : i32
      %add3A_573 = arith.addi %mul3A_571, %add3A_572 : i32
      %get3A_574 = arith.constant 0 : index
      %get3A_575 = arith.index_cast %add3A_573 : i32 to index
      %get3A_576 = vector.load %arg4[%get3A_574, %get3A_575] : memref<1x8192xf32, #tpu.memory_space<vmem>>, vector<1x128xf32>
      %get3A_577 = vector.shape_cast %get3A_576 : vector<1x128xf32> to vector<128xf32>
      %broadcast_in_dim3A_578 = vector.shape_cast %get3A_577 : vector<128xf32> to vector<1x128xf32>
      %add3A_579 = vector.broadcast %broadcast_in_dim3A_578 : vector<1x128xf32> to vector<512x128xf32>
      %add3A_580 = arith.addf %get3A_4, %add3A_579 : vector<512x128xf32>
      %slice3A_581 = vector.extract_strided_slice %dot_general3A_515 {offsets = [0, 256], sizes = [512, 128], strides = [1, 1]} : vector<512x512xf32> to vector<512x128xf32>
      %add3A_582 = arith.addf %add3A_580, %slice3A_581 : vector<512x128xf32>
      %max3A_583 = arith.constant 0.000000e+00 : f32
      %max3A_584 = vector.broadcast %max3A_583 : f32 to vector<512x128xf32>
      %max3A_585 = arith.maximumf %add3A_582, %max3A_584 : vector<512x128xf32>
      %lt3A_586 = arith.cmpf olt, %max3A_585, %select_n3A_563 : vector<512x128xf32>
      %select_n3A_587 = arith.select %lt3A_586, %max3A_585, %select_n3A_563 : vector<512x128xi1>, vector<512x128xf32>
      %mul3A_588 = arith.constant 4 : i32
      %mul3A_589 = arith.muli %scan3A_508, %mul3A_588 : i32
      %add3A_590 = arith.constant 2 : i32
      %add3A_591 = arith.addi %mul3A_589, %add3A_590 : i32
      %broadcast_in_dim3A_592 = vector.broadcast %add3A_591 : i32 to vector<512x128xi32>
      %select_n3A_593 = arith.select %lt3A_586, %broadcast_in_dim3A_592, %select_n3A_569 : vector<512x128xi1>, vector<512x128xi32>
      %mul3A_594 = arith.constant 512 : i32
      %mul3A_595 = arith.muli %scan3A_508, %mul3A_594 : i32
      %add3A_596 = arith.constant 384 : i32
      %add3A_597 = arith.addi %mul3A_595, %add3A_596 : i32
      %get3A_598 = arith.constant 0 : index
      %get3A_599 = arith.index_cast %add3A_597 : i32 to index
      %get3A_600 = vector.load %arg4[%get3A_598, %get3A_599] : memref<1x8192xf32, #tpu.memory_space<vmem>>, vector<1x128xf32>
      %get3A_601 = vector.shape_cast %get3A_600 : vector<1x128xf32> to vector<128xf32>
      %broadcast_in_dim3A_602 = vector.shape_cast %get3A_601 : vector<128xf32> to vector<1x128xf32>
      %add3A_603 = vector.broadcast %broadcast_in_dim3A_602 : vector<1x128xf32> to vector<512x128xf32>
      %add3A_604 = arith.addf %get3A_4, %add3A_603 : vector<512x128xf32>
      %slice3A_605 = vector.extract_strided_slice %dot_general3A_515 {offsets = [0, 384], sizes = [512, 128], strides = [1, 1]} : vector<512x512xf32> to vector<512x128xf32>
      %add3A_606 = arith.addf %add3A_604, %slice3A_605 : vector<512x128xf32>
      %max3A_607 = arith.constant 0.000000e+00 : f32
      %max3A_608 = vector.broadcast %max3A_607 : f32 to vector<512x128xf32>
      %max3A_609 = arith.maximumf %add3A_606, %max3A_608 : vector<512x128xf32>
      %lt3A_610 = arith.cmpf olt, %max3A_609, %select_n3A_587 : vector<512x128xf32>
      %select_n3A_611 = arith.select %lt3A_610, %max3A_609, %select_n3A_587 : vector<512x128xi1>, vector<512x128xf32>
      %mul3A_612 = arith.constant 4 : i32
      %mul3A_613 = arith.muli %scan3A_508, %mul3A_612 : i32
      %add3A_614 = arith.constant 3 : i32
      %add3A_615 = arith.addi %mul3A_613, %add3A_614 : i32
      %broadcast_in_dim3A_616 = vector.broadcast %add3A_615 : i32 to vector<512x128xi32>
      %select_n3A_617 = arith.select %lt3A_610, %broadcast_in_dim3A_616, %select_n3A_593 : vector<512x128xi1>, vector<512x128xi32>
      %swap3A_618 = arith.constant 0 : index
      %swap3A_619 = arith.constant 0 : index
      %swap3A_620 = vector.load %arg6[%swap3A_618, %swap3A_619] : memref<512x128xf32, #tpu.memory_space<vmem>>, vector<512x128xf32>
      tpu.vector_store %arg6[%swap3A_618, %swap3A_619], %select_n3A_611 {strides = array<i32>} : memref<512x128xf32, #tpu.memory_space<vmem>>, vector<512x128xf32>,
      %swap3A_621 = arith.constant 0 : index
      %swap3A_622 = arith.constant 0 : index
      %swap3A_623 = vector.load %arg7[%swap3A_621, %swap3A_622] : memref<512x128xi32, #tpu.memory_space<vmem>>, vector<512x128xi32>
      tpu.vector_store %arg7[%swap3A_621, %swap3A_622], %select_n3A_617 {strides = array<i32>} : memref<512x128xi32, #tpu.memory_space<vmem>>, vector<512x128xi32>,
      %scan3A_624 = arith.constant 5 : i32
      %scan3A_625 = arith.addi %scan3A_44, %scan3A_624 : i32
      %mul3A_626 = arith.constant 512 : i32
      %mul3A_627 = arith.muli %scan3A_625, %mul3A_626 : i32
      %get3A_628 = arith.constant 0 : index
      %get3A_629 = arith.index_cast %mul3A_627 : i32 to index
      %get3A_630 = vector.load %arg3[%get3A_628, %get3A_629] : memref<256x8192xbf16, #tpu.memory_space<vmem>>, vector<256x512xbf16>
      %dot_general3A_631 = arith.constant dense<0.000000e+00> : vector<512x512xf32>
      %dot_general3A_632 = tpu.matmul %get3A_1, %get3A_630, %dot_general3A_631 {dimension_numbers = #tpu.dot_dimension_numbers<[1], [0], [0], [1], [0, 0, 1, 1], [], []>, transpose_lhs_hint = false} : vector<512x256xbf16>, vector<256x512xbf16>, vector<512x512xf32> -> vector<512x512xf32>
      %get3A_633 = arith.constant 0 : index
      %get3A_634 = arith.constant 0 : index
      %get3A_635 = vector.load %arg6[%get3A_633, %get3A_634] : memref<512x128xf32, #tpu.memory_space<vmem>>, vector<512x128xf32>
      %get3A_636 = arith.constant 0 : index
      %get3A_637 = arith.constant 0 : index
      %get3A_638 = vector.load %arg7[%get3A_636, %get3A_637] : memref<512x128xi32, #tpu.memory_space<vmem>>, vector<512x128xi32>
      %mul3A_639 = arith.constant 512 : i32
      %mul3A_640 = arith.muli %scan3A_625, %mul3A_639 : i32
      %add3A_641 = arith.constant 0 : i32
      %add3A_642 = arith.addi %mul3A_640, %add3A_641 : i32
      %get3A_643 = arith.constant 0 : index
      %get3A_644 = arith.index_cast %add3A_642 : i32 to index
      %get3A_645 = vector.load %arg4[%get3A_643, %get3A_644] : memref<1x8192xf32, #tpu.memory_space<vmem>>, vector<1x128xf32>
      %get3A_646 = vector.shape_cast %get3A_645 : vector<1x128xf32> to vector<128xf32>
      %broadcast_in_dim3A_647 = vector.shape_cast %get3A_646 : vector<128xf32> to vector<1x128xf32>
      %add3A_648 = vector.broadcast %broadcast_in_dim3A_647 : vector<1x128xf32> to vector<512x128xf32>
      %add3A_649 = arith.addf %get3A_4, %add3A_648 : vector<512x128xf32>
      %slice3A_650 = vector.extract_strided_slice %dot_general3A_632 {offsets = [0, 0], sizes = [512, 128], strides = [1, 1]} : vector<512x512xf32> to vector<512x128xf32>
      %add3A_651 = arith.addf %add3A_649, %slice3A_650 : vector<512x128xf32>
      %max3A_652 = arith.constant 0.000000e+00 : f32
      %max3A_653 = vector.broadcast %max3A_652 : f32 to vector<512x128xf32>
      %max3A_654 = arith.maximumf %add3A_651, %max3A_653 : vector<512x128xf32>
      %lt3A_655 = arith.cmpf olt, %max3A_654, %get3A_635 : vector<512x128xf32>
      %select_n3A_656 = arith.select %lt3A_655, %max3A_654, %get3A_635 : vector<512x128xi1>, vector<512x128xf32>
      %mul3A_657 = arith.constant 4 : i32
      %mul3A_658 = arith.muli %scan3A_625, %mul3A_657 : i32
      %add3A_659 = arith.constant 0 : i32
      %add3A_660 = arith.addi %mul3A_658, %add3A_659 : i32
      %broadcast_in_dim3A_661 = vector.broadcast %add3A_660 : i32 to vector<512x128xi32>
      %select_n3A_662 = arith.select %lt3A_655, %broadcast_in_dim3A_661, %get3A_638 : vector<512x128xi1>, vector<512x128xi32>
      %mul3A_663 = arith.constant 512 : i32
      %mul3A_664 = arith.muli %scan3A_625, %mul3A_663 : i32
      %add3A_665 = arith.constant 128 : i32
      %add3A_666 = arith.addi %mul3A_664, %add3A_665 : i32
      %get3A_667 = arith.constant 0 : index
      %get3A_668 = arith.index_cast %add3A_666 : i32 to index
      %get3A_669 = vector.load %arg4[%get3A_667, %get3A_668] : memref<1x8192xf32, #tpu.memory_space<vmem>>, vector<1x128xf32>
      %get3A_670 = vector.shape_cast %get3A_669 : vector<1x128xf32> to vector<128xf32>
      %broadcast_in_dim3A_671 = vector.shape_cast %get3A_670 : vector<128xf32> to vector<1x128xf32>
      %add3A_672 = vector.broadcast %broadcast_in_dim3A_671 : vector<1x128xf32> to vector<512x128xf32>
      %add3A_673 = arith.addf %get3A_4, %add3A_672 : vector<512x128xf32>
      %slice3A_674 = vector.extract_strided_slice %dot_general3A_632 {offsets = [0, 128], sizes = [512, 128], strides = [1, 1]} : vector<512x512xf32> to vector<512x128xf32>
      %add3A_675 = arith.addf %add3A_673, %slice3A_674 : vector<512x128xf32>
      %max3A_676 = arith.constant 0.000000e+00 : f32
      %max3A_677 = vector.broadcast %max3A_676 : f32 to vector<512x128xf32>
      %max3A_678 = arith.maximumf %add3A_675, %max3A_677 : vector<512x128xf32>
      %lt3A_679 = arith.cmpf olt, %max3A_678, %select_n3A_656 : vector<512x128xf32>
      %select_n3A_680 = arith.select %lt3A_679, %max3A_678, %select_n3A_656 : vector<512x128xi1>, vector<512x128xf32>
      %mul3A_681 = arith.constant 4 : i32
      %mul3A_682 = arith.muli %scan3A_625, %mul3A_681 : i32
      %add3A_683 = arith.constant 1 : i32
      %add3A_684 = arith.addi %mul3A_682, %add3A_683 : i32
      %broadcast_in_dim3A_685 = vector.broadcast %add3A_684 : i32 to vector<512x128xi32>
      %select_n3A_686 = arith.select %lt3A_679, %broadcast_in_dim3A_685, %select_n3A_662 : vector<512x128xi1>, vector<512x128xi32>
      %mul3A_687 = arith.constant 512 : i32
      %mul3A_688 = arith.muli %scan3A_625, %mul3A_687 : i32
      %add3A_689 = arith.constant 256 : i32
      %add3A_690 = arith.addi %mul3A_688, %add3A_689 : i32
      %get3A_691 = arith.constant 0 : index
      %get3A_692 = arith.index_cast %add3A_690 : i32 to index
      %get3A_693 = vector.load %arg4[%get3A_691, %get3A_692] : memref<1x8192xf32, #tpu.memory_space<vmem>>, vector<1x128xf32>
      %get3A_694 = vector.shape_cast %get3A_693 : vector<1x128xf32> to vector<128xf32>
      %broadcast_in_dim3A_695 = vector.shape_cast %get3A_694 : vector<128xf32> to vector<1x128xf32>
      %add3A_696 = vector.broadcast %broadcast_in_dim3A_695 : vector<1x128xf32> to vector<512x128xf32>
      %add3A_697 = arith.addf %get3A_4, %add3A_696 : vector<512x128xf32>
      %slice3A_698 = vector.extract_strided_slice %dot_general3A_632 {offsets = [0, 256], sizes = [512, 128], strides = [1, 1]} : vector<512x512xf32> to vector<512x128xf32>
      %add3A_699 = arith.addf %add3A_697, %slice3A_698 : vector<512x128xf32>
      %max3A_700 = arith.constant 0.000000e+00 : f32
      %max3A_701 = vector.broadcast %max3A_700 : f32 to vector<512x128xf32>
      %max3A_702 = arith.maximumf %add3A_699, %max3A_701 : vector<512x128xf32>
      %lt3A_703 = arith.cmpf olt, %max3A_702, %select_n3A_680 : vector<512x128xf32>
      %select_n3A_704 = arith.select %lt3A_703, %max3A_702, %select_n3A_680 : vector<512x128xi1>, vector<512x128xf32>
      %mul3A_705 = arith.constant 4 : i32
      %mul3A_706 = arith.muli %scan3A_625, %mul3A_705 : i32
      %add3A_707 = arith.constant 2 : i32
      %add3A_708 = arith.addi %mul3A_706, %add3A_707 : i32
      %broadcast_in_dim3A_709 = vector.broadcast %add3A_708 : i32 to vector<512x128xi32>
      %select_n3A_710 = arith.select %lt3A_703, %broadcast_in_dim3A_709, %select_n3A_686 : vector<512x128xi1>, vector<512x128xi32>
      %mul3A_711 = arith.constant 512 : i32
      %mul3A_712 = arith.muli %scan3A_625, %mul3A_711 : i32
      %add3A_713 = arith.constant 384 : i32
      %add3A_714 = arith.addi %mul3A_712, %add3A_713 : i32
      %get3A_715 = arith.constant 0 : index
      %get3A_716 = arith.index_cast %add3A_714 : i32 to index
      %get3A_717 = vector.load %arg4[%get3A_715, %get3A_716] : memref<1x8192xf32, #tpu.memory_space<vmem>>, vector<1x128xf32>
      %get3A_718 = vector.shape_cast %get3A_717 : vector<1x128xf32> to vector<128xf32>
      %broadcast_in_dim3A_719 = vector.shape_cast %get3A_718 : vector<128xf32> to vector<1x128xf32>
      %add3A_720 = vector.broadcast %broadcast_in_dim3A_719 : vector<1x128xf32> to vector<512x128xf32>
      %add3A_721 = arith.addf %get3A_4, %add3A_720 : vector<512x128xf32>
      %slice3A_722 = vector.extract_strided_slice %dot_general3A_632 {offsets = [0, 384], sizes = [512, 128], strides = [1, 1]} : vector<512x512xf32> to vector<512x128xf32>
      %add3A_723 = arith.addf %add3A_721, %slice3A_722 : vector<512x128xf32>
      %max3A_724 = arith.constant 0.000000e+00 : f32
      %max3A_725 = vector.broadcast %max3A_724 : f32 to vector<512x128xf32>
      %max3A_726 = arith.maximumf %add3A_723, %max3A_725 : vector<512x128xf32>
      %lt3A_727 = arith.cmpf olt, %max3A_726, %select_n3A_704 : vector<512x128xf32>
      %select_n3A_728 = arith.select %lt3A_727, %max3A_726, %select_n3A_704 : vector<512x128xi1>, vector<512x128xf32>
      %mul3A_729 = arith.constant 4 : i32
      %mul3A_730 = arith.muli %scan3A_625, %mul3A_729 : i32
      %add3A_731 = arith.constant 3 : i32
      %add3A_732 = arith.addi %mul3A_730, %add3A_731 : i32
      %broadcast_in_dim3A_733 = vector.broadcast %add3A_732 : i32 to vector<512x128xi32>
      %select_n3A_734 = arith.select %lt3A_727, %broadcast_in_dim3A_733, %select_n3A_710 : vector<512x128xi1>, vector<512x128xi32>
      %swap3A_735 = arith.constant 0 : index
      %swap3A_736 = arith.constant 0 : index
      %swap3A_737 = vector.load %arg6[%swap3A_735, %swap3A_736] : memref<512x128xf32, #tpu.memory_space<vmem>>, vector<512x128xf32>
      tpu.vector_store %arg6[%swap3A_735, %swap3A_736], %select_n3A_728 {strides = array<i32>} : memref<512x128xf32, #tpu.memory_space<vmem>>, vector<512x128xf32>,
      %swap3A_738 = arith.constant 0 : index
      %swap3A_739 = arith.constant 0 : index
      %swap3A_740 = vector.load %arg7[%swap3A_738, %swap3A_739] : memref<512x128xi32, #tpu.memory_space<vmem>>, vector<512x128xi32>
      tpu.vector_store %arg7[%swap3A_738, %swap3A_739], %select_n3A_734 {strides = array<i32>} : memref<512x128xi32, #tpu.memory_space<vmem>>, vector<512x128xi32>,
      %scan3A_741 = arith.constant 6 : i32
      %scan3A_742 = arith.addi %scan3A_44, %scan3A_741 : i32
      %mul3A_743 = arith.constant 512 : i32
      %mul3A_744 = arith.muli %scan3A_742, %mul3A_743 : i32
      %get3A_745 = arith.constant 0 : index
      %get3A_746 = arith.index_cast %mul3A_744 : i32 to index
      %get3A_747 = vector.load %arg3[%get3A_745, %get3A_746] : memref<256x8192xbf16, #tpu.memory_space<vmem>>, vector<256x512xbf16>
      %dot_general3A_748 = arith.constant dense<0.000000e+00> : vector<512x512xf32>
      %dot_general3A_749 = tpu.matmul %get3A_1, %get3A_747, %dot_general3A_748 {dimension_numbers = #tpu.dot_dimension_numbers<[1], [0], [0], [1], [0, 0, 1, 1], [], []>, transpose_lhs_hint = false} : vector<512x256xbf16>, vector<256x512xbf16>, vector<512x512xf32> -> vector<512x512xf32>
      %get3A_750 = arith.constant 0 : index
      %get3A_751 = arith.constant 0 : index
      %get3A_752 = vector.load %arg6[%get3A_750, %get3A_751] : memref<512x128xf32, #tpu.memory_space<vmem>>, vector<512x128xf32>
      %get3A_753 = arith.constant 0 : index
      %get3A_754 = arith.constant 0 : index
      %get3A_755 = vector.load %arg7[%get3A_753, %get3A_754] : memref<512x128xi32, #tpu.memory_space<vmem>>, vector<512x128xi32>
      %mul3A_756 = arith.constant 512 : i32
      %mul3A_757 = arith.muli %scan3A_742, %mul3A_756 : i32
      %add3A_758 = arith.constant 0 : i32
      %add3A_759 = arith.addi %mul3A_757, %add3A_758 : i32
      %get3A_760 = arith.constant 0 : index
      %get3A_761 = arith.index_cast %add3A_759 : i32 to index
      %get3A_762 = vector.load %arg4[%get3A_760, %get3A_761] : memref<1x8192xf32, #tpu.memory_space<vmem>>, vector<1x128xf32>
      %get3A_763 = vector.shape_cast %get3A_762 : vector<1x128xf32> to vector<128xf32>
      %broadcast_in_dim3A_764 = vector.shape_cast %get3A_763 : vector<128xf32> to vector<1x128xf32>
      %add3A_765 = vector.broadcast %broadcast_in_dim3A_764 : vector<1x128xf32> to vector<512x128xf32>
      %add3A_766 = arith.addf %get3A_4, %add3A_765 : vector<512x128xf32>
      %slice3A_767 = vector.extract_strided_slice %dot_general3A_749 {offsets = [0, 0], sizes = [512, 128], strides = [1, 1]} : vector<512x512xf32> to vector<512x128xf32>
      %add3A_768 = arith.addf %add3A_766, %slice3A_767 : vector<512x128xf32>
      %max3A_769 = arith.constant 0.000000e+00 : f32
      %max3A_770 = vector.broadcast %max3A_769 : f32 to vector<512x128xf32>
      %max3A_771 = arith.maximumf %add3A_768, %max3A_770 : vector<512x128xf32>
      %lt3A_772 = arith.cmpf olt, %max3A_771, %get3A_752 : vector<512x128xf32>
      %select_n3A_773 = arith.select %lt3A_772, %max3A_771, %get3A_752 : vector<512x128xi1>, vector<512x128xf32>
      %mul3A_774 = arith.constant 4 : i32
      %mul3A_775 = arith.muli %scan3A_742, %mul3A_774 : i32
      %add3A_776 = arith.constant 0 : i32
      %add3A_777 = arith.addi %mul3A_775, %add3A_776 : i32
      %broadcast_in_dim3A_778 = vector.broadcast %add3A_777 : i32 to vector<512x128xi32>
      %select_n3A_779 = arith.select %lt3A_772, %broadcast_in_dim3A_778, %get3A_755 : vector<512x128xi1>, vector<512x128xi32>
      %mul3A_780 = arith.constant 512 : i32
      %mul3A_781 = arith.muli %scan3A_742, %mul3A_780 : i32
      %add3A_782 = arith.constant 128 : i32
      %add3A_783 = arith.addi %mul3A_781, %add3A_782 : i32
      %get3A_784 = arith.constant 0 : index
      %get3A_785 = arith.index_cast %add3A_783 : i32 to index
      %get3A_786 = vector.load %arg4[%get3A_784, %get3A_785] : memref<1x8192xf32, #tpu.memory_space<vmem>>, vector<1x128xf32>
      %get3A_787 = vector.shape_cast %get3A_786 : vector<1x128xf32> to vector<128xf32>
      %broadcast_in_dim3A_788 = vector.shape_cast %get3A_787 : vector<128xf32> to vector<1x128xf32>
      %add3A_789 = vector.broadcast %broadcast_in_dim3A_788 : vector<1x128xf32> to vector<512x128xf32>
      %add3A_790 = arith.addf %get3A_4, %add3A_789 : vector<512x128xf32>
      %slice3A_791 = vector.extract_strided_slice %dot_general3A_749 {offsets = [0, 128], sizes = [512, 128], strides = [1, 1]} : vector<512x512xf32> to vector<512x128xf32>
      %add3A_792 = arith.addf %add3A_790, %slice3A_791 : vector<512x128xf32>
      %max3A_793 = arith.constant 0.000000e+00 : f32
      %max3A_794 = vector.broadcast %max3A_793 : f32 to vector<512x128xf32>
      %max3A_795 = arith.maximumf %add3A_792, %max3A_794 : vector<512x128xf32>
      %lt3A_796 = arith.cmpf olt, %max3A_795, %select_n3A_773 : vector<512x128xf32>
      %select_n3A_797 = arith.select %lt3A_796, %max3A_795, %select_n3A_773 : vector<512x128xi1>, vector<512x128xf32>
      %mul3A_798 = arith.constant 4 : i32
      %mul3A_799 = arith.muli %scan3A_742, %mul3A_798 : i32
      %add3A_800 = arith.constant 1 : i32
      %add3A_801 = arith.addi %mul3A_799, %add3A_800 : i32
      %broadcast_in_dim3A_802 = vector.broadcast %add3A_801 : i32 to vector<512x128xi32>
      %select_n3A_803 = arith.select %lt3A_796, %broadcast_in_dim3A_802, %select_n3A_779 : vector<512x128xi1>, vector<512x128xi32>
      %mul3A_804 = arith.constant 512 : i32
      %mul3A_805 = arith.muli %scan3A_742, %mul3A_804 : i32
      %add3A_806 = arith.constant 256 : i32
      %add3A_807 = arith.addi %mul3A_805, %add3A_806 : i32
      %get3A_808 = arith.constant 0 : index
      %get3A_809 = arith.index_cast %add3A_807 : i32 to index
      %get3A_810 = vector.load %arg4[%get3A_808, %get3A_809] : memref<1x8192xf32, #tpu.memory_space<vmem>>, vector<1x128xf32>
      %get3A_811 = vector.shape_cast %get3A_810 : vector<1x128xf32> to vector<128xf32>
      %broadcast_in_dim3A_812 = vector.shape_cast %get3A_811 : vector<128xf32> to vector<1x128xf32>
      %add3A_813 = vector.broadcast %broadcast_in_dim3A_812 : vector<1x128xf32> to vector<512x128xf32>
      %add3A_814 = arith.addf %get3A_4, %add3A_813 : vector<512x128xf32>
      %slice3A_815 = vector.extract_strided_slice %dot_general3A_749 {offsets = [0, 256], sizes = [512, 128], strides = [1, 1]} : vector<512x512xf32> to vector<512x128xf32>
      %add3A_816 = arith.addf %add3A_814, %slice3A_815 : vector<512x128xf32>
      %max3A_817 = arith.constant 0.000000e+00 : f32
      %max3A_818 = vector.broadcast %max3A_817 : f32 to vector<512x128xf32>
      %max3A_819 = arith.maximumf %add3A_816, %max3A_818 : vector<512x128xf32>
      %lt3A_820 = arith.cmpf olt, %max3A_819, %select_n3A_797 : vector<512x128xf32>
      %select_n3A_821 = arith.select %lt3A_820, %max3A_819, %select_n3A_797 : vector<512x128xi1>, vector<512x128xf32>
      %mul3A_822 = arith.constant 4 : i32
      %mul3A_823 = arith.muli %scan3A_742, %mul3A_822 : i32
      %add3A_824 = arith.constant 2 : i32
      %add3A_825 = arith.addi %mul3A_823, %add3A_824 : i32
      %broadcast_in_dim3A_826 = vector.broadcast %add3A_825 : i32 to vector<512x128xi32>
      %select_n3A_827 = arith.select %lt3A_820, %broadcast_in_dim3A_826, %select_n3A_803 : vector<512x128xi1>, vector<512x128xi32>
      %mul3A_828 = arith.constant 512 : i32
      %mul3A_829 = arith.muli %scan3A_742, %mul3A_828 : i32
      %add3A_830 = arith.constant 384 : i32
      %add3A_831 = arith.addi %mul3A_829, %add3A_830 : i32
      %get3A_832 = arith.constant 0 : index
      %get3A_833 = arith.index_cast %add3A_831 : i32 to index
      %get3A_834 = vector.load %arg4[%get3A_832, %get3A_833] : memref<1x8192xf32, #tpu.memory_space<vmem>>, vector<1x128xf32>
      %get3A_835 = vector.shape_cast %get3A_834 : vector<1x128xf32> to vector<128xf32>
      %broadcast_in_dim3A_836 = vector.shape_cast %get3A_835 : vector<128xf32> to vector<1x128xf32>
      %add3A_837 = vector.broadcast %broadcast_in_dim3A_836 : vector<1x128xf32> to vector<512x128xf32>
      %add3A_838 = arith.addf %get3A_4, %add3A_837 : vector<512x128xf32>
      %slice3A_839 = vector.extract_strided_slice %dot_general3A_749 {offsets = [0, 384], sizes = [512, 128], strides = [1, 1]} : vector<512x512xf32> to vector<512x128xf32>
      %add3A_840 = arith.addf %add3A_838, %slice3A_839 : vector<512x128xf32>
      %max3A_841 = arith.constant 0.000000e+00 : f32
      %max3A_842 = vector.broadcast %max3A_841 : f32 to vector<512x128xf32>
      %max3A_843 = arith.maximumf %add3A_840, %max3A_842 : vector<512x128xf32>
      %lt3A_844 = arith.cmpf olt, %max3A_843, %select_n3A_821 : vector<512x128xf32>
      %select_n3A_845 = arith.select %lt3A_844, %max3A_843, %select_n3A_821 : vector<512x128xi1>, vector<512x128xf32>
      %mul3A_846 = arith.constant 4 : i32
      %mul3A_847 = arith.muli %scan3A_742, %mul3A_846 : i32
      %add3A_848 = arith.constant 3 : i32
      %add3A_849 = arith.addi %mul3A_847, %add3A_848 : i32
      %broadcast_in_dim3A_850 = vector.broadcast %add3A_849 : i32 to vector<512x128xi32>
      %select_n3A_851 = arith.select %lt3A_844, %broadcast_in_dim3A_850, %select_n3A_827 : vector<512x128xi1>, vector<512x128xi32>
      %swap3A_852 = arith.constant 0 : index
      %swap3A_853 = arith.constant 0 : index
      %swap3A_854 = vector.load %arg6[%swap3A_852, %swap3A_853] : memref<512x128xf32, #tpu.memory_space<vmem>>, vector<512x128xf32>
      tpu.vector_store %arg6[%swap3A_852, %swap3A_853], %select_n3A_845 {strides = array<i32>} : memref<512x128xf32, #tpu.memory_space<vmem>>, vector<512x128xf32>,
      %swap3A_855 = arith.constant 0 : index
      %swap3A_856 = arith.constant 0 : index
      %swap3A_857 = vector.load %arg7[%swap3A_855, %swap3A_856] : memref<512x128xi32, #tpu.memory_space<vmem>>, vector<512x128xi32>
      tpu.vector_store %arg7[%swap3A_855, %swap3A_856], %select_n3A_851 {strides = array<i32>} : memref<512x128xi32, #tpu.memory_space<vmem>>, vector<512x128xi32>,
      %scan3A_858 = arith.constant 7 : i32
      %scan3A_859 = arith.addi %scan3A_44, %scan3A_858 : i32
      %mul3A_860 = arith.constant 512 : i32
      %mul3A_861 = arith.muli %scan3A_859, %mul3A_860 : i32
      %get3A_862 = arith.constant 0 : index
      %get3A_863 = arith.index_cast %mul3A_861 : i32 to index
      %get3A_864 = vector.load %arg3[%get3A_862, %get3A_863] : memref<256x8192xbf16, #tpu.memory_space<vmem>>, vector<256x512xbf16>
      %dot_general3A_865 = arith.constant dense<0.000000e+00> : vector<512x512xf32>
      %dot_general3A_866 = tpu.matmul %get3A_1, %get3A_864, %dot_general3A_865 {dimension_numbers = #tpu.dot_dimension_numbers<[1], [0], [0], [1], [0, 0, 1, 1], [], []>, transpose_lhs_hint = false} : vector<512x256xbf16>, vector<256x512xbf16>, vector<512x512xf32> -> vector<512x512xf32>
      %get3A_867 = arith.constant 0 : index
      %get3A_868 = arith.constant 0 : index
      %get3A_869 = vector.load %arg6[%get3A_867, %get3A_868] : memref<512x128xf32, #tpu.memory_space<vmem>>, vector<512x128xf32>
      %get3A_870 = arith.constant 0 : index
      %get3A_871 = arith.constant 0 : index
      %get3A_872 = vector.load %arg7[%get3A_870, %get3A_871] : memref<512x128xi32, #tpu.memory_space<vmem>>, vector<512x128xi32>
      %mul3A_873 = arith.constant 512 : i32
      %mul3A_874 = arith.muli %scan3A_859, %mul3A_873 : i32
      %add3A_875 = arith.constant 0 : i32
      %add3A_876 = arith.addi %mul3A_874, %add3A_875 : i32
      %get3A_877 = arith.constant 0 : index
      %get3A_878 = arith.index_cast %add3A_876 : i32 to index
      %get3A_879 = vector.load %arg4[%get3A_877, %get3A_878] : memref<1x8192xf32, #tpu.memory_space<vmem>>, vector<1x128xf32>
      %get3A_880 = vector.shape_cast %get3A_879 : vector<1x128xf32> to vector<128xf32>
      %broadcast_in_dim3A_881 = vector.shape_cast %get3A_880 : vector<128xf32> to vector<1x128xf32>
      %add3A_882 = vector.broadcast %broadcast_in_dim3A_881 : vector<1x128xf32> to vector<512x128xf32>
      %add3A_883 = arith.addf %get3A_4, %add3A_882 : vector<512x128xf32>
      %slice3A_884 = vector.extract_strided_slice %dot_general3A_866 {offsets = [0, 0], sizes = [512, 128], strides = [1, 1]} : vector<512x512xf32> to vector<512x128xf32>
      %add3A_885 = arith.addf %add3A_883, %slice3A_884 : vector<512x128xf32>
      %max3A_886 = arith.constant 0.000000e+00 : f32
      %max3A_887 = vector.broadcast %max3A_886 : f32 to vector<512x128xf32>
      %max3A_888 = arith.maximumf %add3A_885, %max3A_887 : vector<512x128xf32>
      %lt3A_889 = arith.cmpf olt, %max3A_888, %get3A_869 : vector<512x128xf32>
      %select_n3A_890 = arith.select %lt3A_889, %max3A_888, %get3A_869 : vector<512x128xi1>, vector<512x128xf32>
      %mul3A_891 = arith.constant 4 : i32
      %mul3A_892 = arith.muli %scan3A_859, %mul3A_891 : i32
      %add3A_893 = arith.constant 0 : i32
      %add3A_894 = arith.addi %mul3A_892, %add3A_893 : i32
      %broadcast_in_dim3A_895 = vector.broadcast %add3A_894 : i32 to vector<512x128xi32>
      %select_n3A_896 = arith.select %lt3A_889, %broadcast_in_dim3A_895, %get3A_872 : vector<512x128xi1>, vector<512x128xi32>
      %mul3A_897 = arith.constant 512 : i32
      %mul3A_898 = arith.muli %scan3A_859, %mul3A_897 : i32
      %add3A_899 = arith.constant 128 : i32
      %add3A_900 = arith.addi %mul3A_898, %add3A_899 : i32
      %get3A_901 = arith.constant 0 : index
      %get3A_902 = arith.index_cast %add3A_900 : i32 to index
      %get3A_903 = vector.load %arg4[%get3A_901, %get3A_902] : memref<1x8192xf32, #tpu.memory_space<vmem>>, vector<1x128xf32>
      %get3A_904 = vector.shape_cast %get3A_903 : vector<1x128xf32> to vector<128xf32>
      %broadcast_in_dim3A_905 = vector.shape_cast %get3A_904 : vector<128xf32> to vector<1x128xf32>
      %add3A_906 = vector.broadcast %broadcast_in_dim3A_905 : vector<1x128xf32> to vector<512x128xf32>
      %add3A_907 = arith.addf %get3A_4, %add3A_906 : vector<512x128xf32>
      %slice3A_908 = vector.extract_strided_slice %dot_general3A_866 {offsets = [0, 128], sizes = [512, 128], strides = [1, 1]} : vector<512x512xf32> to vector<512x128xf32>
      %add3A_909 = arith.addf %add3A_907, %slice3A_908 : vector<512x128xf32>
      %max3A_910 = arith.constant 0.000000e+00 : f32
      %max3A_911 = vector.broadcast %max3A_910 : f32 to vector<512x128xf32>
      %max3A_912 = arith.maximumf %add3A_909, %max3A_911 : vector<512x128xf32>
      %lt3A_913 = arith.cmpf olt, %max3A_912, %select_n3A_890 : vector<512x128xf32>
      %select_n3A_914 = arith.select %lt3A_913, %max3A_912, %select_n3A_890 : vector<512x128xi1>, vector<512x128xf32>
      %mul3A_915 = arith.constant 4 : i32
      %mul3A_916 = arith.muli %scan3A_859, %mul3A_915 : i32
      %add3A_917 = arith.constant 1 : i32
      %add3A_918 = arith.addi %mul3A_916, %add3A_917 : i32
      %broadcast_in_dim3A_919 = vector.broadcast %add3A_918 : i32 to vector<512x128xi32>
      %select_n3A_920 = arith.select %lt3A_913, %broadcast_in_dim3A_919, %select_n3A_896 : vector<512x128xi1>, vector<512x128xi32>
      %mul3A_921 = arith.constant 512 : i32
      %mul3A_922 = arith.muli %scan3A_859, %mul3A_921 : i32
      %add3A_923 = arith.constant 256 : i32
      %add3A_924 = arith.addi %mul3A_922, %add3A_923 : i32
      %get3A_925 = arith.constant 0 : index
      %get3A_926 = arith.index_cast %add3A_924 : i32 to index
      %get3A_927 = vector.load %arg4[%get3A_925, %get3A_926] : memref<1x8192xf32, #tpu.memory_space<vmem>>, vector<1x128xf32>
      %get3A_928 = vector.shape_cast %get3A_927 : vector<1x128xf32> to vector<128xf32>
      %broadcast_in_dim3A_929 = vector.shape_cast %get3A_928 : vector<128xf32> to vector<1x128xf32>
      %add3A_930 = vector.broadcast %broadcast_in_dim3A_929 : vector<1x128xf32> to vector<512x128xf32>
      %add3A_931 = arith.addf %get3A_4, %add3A_930 : vector<512x128xf32>
      %slice3A_932 = vector.extract_strided_slice %dot_general3A_866 {offsets = [0, 256], sizes = [512, 128], strides = [1, 1]} : vector<512x512xf32> to vector<512x128xf32>
      %add3A_933 = arith.addf %add3A_931, %slice3A_932 : vector<512x128xf32>
      %max3A_934 = arith.constant 0.000000e+00 : f32
      %max3A_935 = vector.broadcast %max3A_934 : f32 to vector<512x128xf32>
      %max3A_936 = arith.maximumf %add3A_933, %max3A_935 : vector<512x128xf32>
      %lt3A_937 = arith.cmpf olt, %max3A_936, %select_n3A_914 : vector<512x128xf32>
      %select_n3A_938 = arith.select %lt3A_937, %max3A_936, %select_n3A_914 : vector<512x128xi1>, vector<512x128xf32>
      %mul3A_939 = arith.constant 4 : i32
      %mul3A_940 = arith.muli %scan3A_859, %mul3A_939 : i32
      %add3A_941 = arith.constant 2 : i32
      %add3A_942 = arith.addi %mul3A_940, %add3A_941 : i32
      %broadcast_in_dim3A_943 = vector.broadcast %add3A_942 : i32 to vector<512x128xi32>
      %select_n3A_944 = arith.select %lt3A_937, %broadcast_in_dim3A_943, %select_n3A_920 : vector<512x128xi1>, vector<512x128xi32>
      %mul3A_945 = arith.constant 512 : i32
      %mul3A_946 = arith.muli %scan3A_859, %mul3A_945 : i32
      %add3A_947 = arith.constant 384 : i32
      %add3A_948 = arith.addi %mul3A_946, %add3A_947 : i32
      %get3A_949 = arith.constant 0 : index
      %get3A_950 = arith.index_cast %add3A_948 : i32 to index
      %get3A_951 = vector.load %arg4[%get3A_949, %get3A_950] : memref<1x8192xf32, #tpu.memory_space<vmem>>, vector<1x128xf32>
      %get3A_952 = vector.shape_cast %get3A_951 : vector<1x128xf32> to vector<128xf32>
      %broadcast_in_dim3A_953 = vector.shape_cast %get3A_952 : vector<128xf32> to vector<1x128xf32>
      %add3A_954 = vector.broadcast %broadcast_in_dim3A_953 : vector<1x128xf32> to vector<512x128xf32>
      %add3A_955 = arith.addf %get3A_4, %add3A_954 : vector<512x128xf32>
      %slice3A_956 = vector.extract_strided_slice %dot_general3A_866 {offsets = [0, 384], sizes = [512, 128], strides = [1, 1]} : vector<512x512xf32> to vector<512x128xf32>
      %add3A_957 = arith.addf %add3A_955, %slice3A_956 : vector<512x128xf32>
      %max3A_958 = arith.constant 0.000000e+00 : f32
      %max3A_959 = vector.broadcast %max3A_958 : f32 to vector<512x128xf32>
      %max3A_960 = arith.maximumf %add3A_957, %max3A_959 : vector<512x128xf32>
      %lt3A_961 = arith.cmpf olt, %max3A_960, %select_n3A_938 : vector<512x128xf32>
      %select_n3A_962 = arith.select %lt3A_961, %max3A_960, %select_n3A_938 : vector<512x128xi1>, vector<512x128xf32>
      %mul3A_963 = arith.constant 4 : i32
      %mul3A_964 = arith.muli %scan3A_859, %mul3A_963 : i32
      %add3A_965 = arith.constant 3 : i32
      %add3A_966 = arith.addi %mul3A_964, %add3A_965 : i32
      %broadcast_in_dim3A_967 = vector.broadcast %add3A_966 : i32 to vector<512x128xi32>
      %select_n3A_968 = arith.select %lt3A_961, %broadcast_in_dim3A_967, %select_n3A_944 : vector<512x128xi1>, vector<512x128xi32>
      %swap3A_969 = arith.constant 0 : index
      %swap3A_970 = arith.constant 0 : index
      %swap3A_971 = vector.load %arg6[%swap3A_969, %swap3A_970] : memref<512x128xf32, #tpu.memory_space<vmem>>, vector<512x128xf32>
      tpu.vector_store %arg6[%swap3A_969, %swap3A_970], %select_n3A_962 {strides = array<i32>} : memref<512x128xf32, #tpu.memory_space<vmem>>, vector<512x128xf32>,
      %swap3A_972 = arith.constant 0 : index
      %swap3A_973 = arith.constant 0 : index
      %swap3A_974 = vector.load %arg7[%swap3A_972, %swap3A_973] : memref<512x128xi32, #tpu.memory_space<vmem>>, vector<512x128xi32>
      tpu.vector_store %arg7[%swap3A_972, %swap3A_973], %select_n3A_968 {strides = array<i32>} : memref<512x128xi32, #tpu.memory_space<vmem>>, vector<512x128xi32>,
    }
    %scan3A_16 = arith.constant 16 : i32
    %get3A_17 = arith.constant 0 : index
    %get3A_18 = arith.constant 0 : index
    %get3A_19 = vector.load %arg6[%get3A_17, %get3A_18] : memref<512x128xf32, #tpu.memory_space<vmem>>, vector<512x128xf32>
    %get3A_20 = arith.constant 0 : index
    %get3A_21 = arith.constant 0 : index
    %get3A_22 = vector.load %arg7[%get3A_20, %get3A_21] : memref<512x128xi32, #tpu.memory_space<vmem>>, vector<512x128xi32>
    %rsqrt3A = math.rsqrt %get3A_19 : vector<512x128xf32>
    %mul3A = arith.mulf %rsqrt3A, %get3A_19 : vector<512x128xf32>
    %add3A = arith.constant 15.9843826 : f32
    %add3A_23 = vector.broadcast %add3A : f32 to vector<512x128xf32>
    %add3A_24 = arith.addf %mul3A, %add3A_23 : vector<512x128xf32>
    %mul3A_25 = arith.constant 1.41490591 : f32
    %mul3A_26 = vector.broadcast %mul3A_25 : f32 to vector<512x128xf32>
    %mul3A_27 = arith.mulf %add3A_24, %mul3A_26 : vector<512x128xf32>
    %reduce_min3A = arith.constant dense<0x7F800000> : vector<512xf32>
    %reduce_min3A_28 = vector.multi_reduction <minimumf>, %mul3A_27, %reduce_min3A [1] : vector<512x128xf32> to vector<512xf32>
    %broadcast_in_dim3A_29 = vector.shape_cast %reduce_min3A_28 : vector<512xf32> to vector<512x1xf32>
    %iota3A = tpu.iota {dimensions = array<i32: 1>} : vector<512x128xi32>
    %mul3A_30 = arith.constant 128 : i32
    %mul3A_31 = vector.broadcast %mul3A_30 : i32 to vector<512x128xi32>
    %mul3A_32 = arith.muli %get3A_22, %mul3A_31 : vector<512x128xi32>
    %add3A_33 = arith.addi %mul3A_32, %iota3A : vector<512x128xi32>
    %eq3A = vector.broadcast %broadcast_in_dim3A_29 : vector<512x1xf32> to vector<512x128xf32>
    %eq3A_34 = arith.cmpf oeq, %mul3A_27, %eq3A : vector<512x128xf32>
    %jit3A = arith.constant 8192 : i32
    %broadcast_in_dim3A_35 = vector.broadcast %jit3A : i32 to vector<512x128xi32>
    %select_n3A = arith.select %eq3A_34, %add3A_33, %broadcast_in_dim3A_35 : vector<512x128xi1>, vector<512x128xi32>
    %reduce_min3A_36 = arith.constant dense<2147483647> : vector<512xi32>
    %reduce_min3A_37 = vector.multi_reduction <minsi>, %select_n3A, %reduce_min3A_36 [1] : vector<512x128xi32> to vector<512xi32>
    %swap3A_38 = arith.constant 0 : index
    %swap3A_39 = arith.constant 0 : index
    %swap3A_40 = arith.constant 0 : index
    %swap3A_41 = vector.load %arg5[%swap3A_38, %swap3A_39, %swap3A_40] : memref<1x1x512xi32, #tpu.memory_space<vmem>>, vector<1x1x512xi32>
    %swap3A_42 = vector.shape_cast %swap3A_41 : vector<1x1x512xi32> to vector<512xi32>
    %swap3A_43 = vector.shape_cast %reduce_min3A_37 : vector<512xi32> to vector<1x1x512xi32>
    tpu.vector_store %arg5[%swap3A_38, %swap3A_39, %swap3A_40], %swap3A_43 {strides = array<i32>} : memref<1x1x512xi32, #tpu.memory_space<vmem>>, vector<1x1x512xi32>,
    return
  }
  func.func @transform_0(%arg0: i32) -> (i32, i32) {
    %c0_i32 = arith.constant 0 : i32
    %c0_i32_0 = arith.constant 0 : i32
    return %arg0, %c0_i32 : i32, i32
  }
  func.func @transform_1(%arg0: i32) -> (i32, i32) {
    %c0_i32 = arith.constant 0 : i32
    %c0_i32_0 = arith.constant 0 : i32
    return %arg0, %c0_i32 : i32, i32
  }
  func.func @transform_2(%arg0: i32) -> (i32, i32) {
    %c0_i32 = arith.constant 0 : i32
    %c0_i32_0 = arith.constant 0 : i32
    %c0_i32_1 = arith.constant 0 : i32
    return %c0_i32, %c0_i32_0 : i32, i32
  }
  func.func @transform_3(%arg0: i32) -> (i32, i32) {
    %c0_i32 = arith.constant 0 : i32
    %c0_i32_0 = arith.constant 0 : i32
    %c0_i32_1 = arith.constant 0 : i32
    return %c0_i32, %c0_i32_0 : i32, i32
  }
  func.func @transform_4(%arg0: i32) -> (i32, i32, i32) {
    %c0_i32 = arith.constant 0 : i32
    %c0_i32_0 = arith.constant 0 : i32
    %c0_i32_1 = arith.constant 0 : i32
    return %arg0, %c0_i32, %c0_i32_0 : i32, i32, i32
  }
}

</mosaic_0001>

<sc_bundles>
// kernel: kernel.5.cloned.1.call-start
scs
__scs_entry_jumppad:
0x0: {  	(pc) =	sbr.rel $0x88, $3  }
0x1: {  	(tag) =	ssettag $0x0;
	lr =	simm.s32 $0x1  }
0x2: {  	[smem:$0x3F9D] =	sst lr;
	_ =	strace $0xD0000000  }
0x3: {  	_ = 	snop  }
0x4: {  	_ = 	snop  }
0x5: {  	_ = 	snop  }
0x6: {  	_ = 	snop  }
0x7: {  	_ = 	snop  }
__scs_overlays_trampoline_lowered:
0x8: {  	[smem:$0x3FAC] =	sst s0  }
0x9: {  	[smem:$0x3FAD] =	sst s1  }
0xa: {  	[smem:$0x3FAE] =	sst s2  }
0xb: {  	[smem:$0x3FAF] =	sst s3  }
0xc: {  	[smem:$0x3FB0] =	sst s4  }
0xd: {  	[smem:$0x3FB1] =	sst s5  }
0xe: {  	[smem:$0x3FB2] =	sst s6  }
0xf: {  	[smem:$0x3FB3] =	sst s7  }
0x10: {  	[smem:$0x3FB4] =	sst s8  }
0x11: {  	[smem:$0x3FB5] =	sst s9;
	s0 =	simm.s32 @!p0 $0x0  }
0x12: {  	s1 =	sld [smem:$0x3F9B];
	s0 =	simm.s32 @p0 $0x1  }
0x13: {  	[smem:$0x3FB6] =	sst s0;
	s0 =	simm.s32 @!p1 $0x0  }
0x14: {  	s2 =	sld [smem:$0x3F9A];
	s0 =	simm.s32 @p1 $0x1  }
0x15: {  	[smem:$0x3FB7] =	sst s0;
	s0 =	simm.s32 @!p2 $0x0  }
0x16: {  	s3 =	sld [smem:$0x3FDB];
	s0 =	simm.s32 @p2 $0x1  }
0x17: {  	s4 =	simm.s32 $0x1BF5;
	[smem:$0x3FB9] =	sst s0  }
0x18: {  	s0 =	sld [smem:$0x3F9C];
	_ =	swait.ge [sflag:s4], $0x0  }
0x19: {  	s7 =	sld [smem:$0x3F9D]  }
0x1a: {  	s8 =	sadd.s32 $0xFFFFE003, lr  }
0x1b: {  	s9 =	sadd.s32 $0xFFFFFEF7, lr;
	s5 =	simm.s32 $0xFFFFFFFF;
	p2 =	slt.u32 s8, $0xFFFFF086  }
0x1c: {  	p1 =	slt.u32 s9, $0xF7A;
	s5 =	simm.s32 @!p2 $0x0  }
0x1d: {  	s5 =	simm.s32 @p1 $0x1;
	p0 =	seq.s32 s7, s2  }
0x1e: {  	s7 =	smul.u32 @!p0 $0xF7A, s2;
	p2 =	seq.s32 @!p0 s5, $0x0  }
0x1f: {  	s9 =	smul.u32 $0xF7A, s1;
	s8 =	simm.s32 @!p0 $0x1BF5;
	p2 =	por !p2, p0  }
0x20: {  	[sflag:s8] =	ssyncset.s32 @!p0 $0xFFFFF086;
	s6 =	sadd.s32 @!p0 s3, s7;
	s7 =	simm.s32 @!p0 $0x108  }
0x21: {  	s3 =	sadd.s32 s3, s9;
	s6 =	sadd.s32 @!p0 $0x88, s6;
	s7 =	simm.s32 @p2 $0x1082  }
0x22: {  	[simem:s7], [sflag:s8] =	dma.local @!p0 [hbm:s6], $0xF7A  }
0x23: {  	s9 =	sor.u32 $0xD0000000, s2;
	s6 =	simm.s32 $0x108;
	_ =	swait.ge @!p0 [sflag:s8], $0x0  }
0x24: {  	s3 =	sadd.s32 $0x88, s3;
	s6 =	simm.s32 @!p1 $0x1082;
	[sflag:s4] =	ssyncset.s32 $0xFFFFF086  }
0x25: {  	[simem:s6], [sflag:s4] =	dma.local [hbm:s3], $0xF7A  }
0x26: {  	[smem:$0x3F9D] =	sst s1;
	(tag) =	ssettag s2;
	_ =	strace s9  }
0x27: {  	s1 =	sld [smem:$0x3FAD]  }
0x28: {  	s2 =	sld [smem:$0x3FAE]  }
0x29: {  	s4 =	sld [smem:$0x3FB0]  }
0x2a: {  	p0 =	seq.s32 s5, $0x0;
	s5 =	sld [smem:$0x3FB1]  }
0x2b: {  	s6 =	sld [smem:$0x3FB2]  }
0x2c: {  	s7 =	sld [smem:$0x3FB3]  }
0x2d: {  	s3 =	simm.s32 $0x108;
	s8 =	sld [smem:$0x3FB4]  }
0x2e: {  	s3 =	simm.s32 @!p0 $0x1082;
	s9 =	sld [smem:$0x3FB5]  }
0x2f: {  	lr =	sadd.s32 s0, s3;
	s0 =	sld [smem:$0x3FAC]  }
0x30: {  	s3 =	sld [smem:$0x3FAF]  }
0x31: {  	[smem:$0x3FB8] =	sst s10  }
0x32: {  	s10 =	sld [smem:$0x3FB6];
	_ =	sdelay $0x3  }
0x33: {  	p0 =	seq.s32 s10, $0x1;
	s10 =	sld [smem:$0x3FB8];
	_ =	sdelay $0x3  }
0x34: {  	[smem:$0x3FB8] =	sst s10  }
0x35: {  	s10 =	sld [smem:$0x3FB7];
	_ =	sdelay $0x3  }
0x36: {  	p1 =	seq.s32 s10, $0x1;
	s10 =	sld [smem:$0x3FB8];
	_ =	sdelay $0x3  }
0x37: {  	[smem:$0x3FB8] =	sst s10  }
0x38: {  	s10 =	sld [smem:$0x3FB9]  }
0x39: {  	_ = 	snop;
	(pc) =	sbr.ind lr, $3  }
0x3a: {  	_ = 	snop  }
0x3b: {  	_ = 	snop  }
0x3c: {  	p2 =	seq.s32 s10, $0x1;
	s10 =	sld [smem:$0x3FB8]  }
0x3d: {  	_ =	shalt  }
0x3e: {  	_ =	shalt  }
0x3f: {  	_ =	shalt  }
0x40: {  	_ =	shalt  }
0x41: {  	_ =	shalt  }
0x42: {  	_ =	shalt  }
0x43: {  	_ =	shalt  }
0x44: {  	_ =	shalt  }
0x45: {  	_ =	shalt  }
0x46: {  	_ =	shalt  }
0x47: {  	_ =	shalt  }
0x48: {  	_ =	shalt  }
0x49: {  	_ =	shalt  }
0x4a: {  	_ =	shalt  }
0x4b: {  	_ =	shalt  }
0x4c: {  	_ =	shalt  }
0x4d: {  	_ =	shalt  }
0x4e: {  	_ =	shalt  }
0x4f: {  	_ =	shalt  }
0x50: {  	_ =	shalt  }
0x51: {  	_ =	shalt  }
0x52: {  	_ =	shalt  }
0x53: {  	_ =	shalt  }
0x54: {  	_ =	shalt  }
0x55: {  	_ =	shalt  }
0x56: {  	_ =	shalt  }
0x57: {  	_ =	shalt  }
0x58: {  	_ =	shalt  }
0x59: {  	_ =	shalt  }
0x5a: {  	_ =	shalt  }
0x5b: {  	_ =	shalt  }
0x5c: {  	_ =	shalt  }
0x5d: {  	_ =	shalt  }
0x5e: {  	_ =	shalt  }
0x5f: {  	_ =	shalt  }
0x60: {  	_ =	shalt  }
0x61: {  	_ =	shalt  }
0x62: {  	_ =	shalt  }
0x63: {  	_ =	shalt  }
0x64: {  	_ =	shalt  }
0x65: {  	_ =	shalt  }
0x66: {  	_ =	shalt  }
0x67: {  	_ =	shalt  }
0x68: {  	_ =	shalt  }
0x69: {  	_ =	shalt  }
0x6a: {  	_ =	shalt  }
0x6b: {  	_ =	shalt  }
0x6c: {  	_ =	shalt  }
0x6d: {  	_ =	shalt  }
0x6e: {  	_ =	shalt  }
0x6f: {  	_ =	shalt  }
0x70: {  	_ =	shalt  }
0x71: {  	_ =	shalt  }
0x72: {  	_ =	shalt  }
0x73: {  	_ =	shalt  }
0x74: {  	_ =	shalt  }
0x75: {  	_ =	shalt  }
0x76: {  	_ =	shalt  }
0x77: {  	_ =	shalt  }
0x78: {  	_ =	shalt  }
0x79: {  	_ =	shalt  }
0x7a: {  	_ =	shalt  }
0x7b: {  	_ =	shalt  }
0x7c: {  	_ =	shalt  }
0x7d: {  	_ =	shalt  }
0x7e: {  	_ =	shalt  }
0x7f: {  	_ =	shalt  }
0x80: {  	_ =	shalt  }
0x81: {  	_ =	shalt  }
0x82: {  	_ =	shalt  }
0x83: {  	_ =	shalt  }
0x84: {  	_ =	shalt  }
0x85: {  	_ =	shalt  }
0x86: {  	_ =	shalt  }
0x87: {  	_ =	shalt  }
.Lfunc_end0:
.L_simem_size_0:
called_computation_lowered:
.L_overlay_start_0:
0x88: {  	s2 =	sld [smem:$0x3FD9]  }
0x89: {  	s3 =	sld [smem:$0x3FFE];
	_ =	sdelay $0x1  }
0x8a: {  	s1 =	srdreg.scid  }
0x8b: {  	s0 =	sand.u32 $0x1, s1  }
0x8c: {  	s14 =	sshll.u32 s0, $0xA;
	s2 =	sadd.s32 s3, s2  }
0x8d: {  	s2 =	sadd.s32 s2, s14  }
0x8e: {  	[smem:$0x3FC4] =	sst s2  }
0x8f: {  	_ = 	snop  }
0x90: {  	s2 =	sld [smem:$0x3FD0];
	_ =	sdelay $0x2  }
0x91: {  	s15 =	simm.s32 $0xA;
	s4 =	simm.s32 $0x10  }
0x92: {  	[smem:s4], [sflag:s15] =	dma.local [hbm:s2], $0x1  }
0x93: {  	_ =	swait.eq [sflag:s15], $0x1  }
0x94: {  	[sflag:s15] =	ssyncset.done $0x0  }
0x95: {  	[sflag:s15] =	ssyncadd.s32 $0xFFFFFFFF  }
0x96: {  	s16 =	sld [smem:$0x11];
	(tm) =	ssettm $0x1  }
0x97: {  	s17 =	sld [smem:$0x3FFB];
	_ =	sdelay $0x3  }
0x98: {  	_ =	strace s17  }
0x99: {  	s3 =	sld [smem:$0x3FFC];
	_ =	sdelay $0x3  }
0x9a: {  	_ =	strace s3  }
0x9b: {  	s3 =	sld [smem:$0x3FFD];
	_ =	sdelay $0x3  }
0x9c: {  	_ =	strace s3  }
0x9d: {  	_ =	strace $0x8FFFFFFF  }
0x9e: {  	s18 =	sld [smem:$0x3FDB];
	_ =	sdelay $0x1  }
0x9f: {  	s19 =	simm.s32 $_scs_section_size  }
0xa0: {  	s5 =	simm.s32 $_size__tile_overlayer_lowered;
	s6 =	simm.s32 $_tile_overlayer_lowered  }
0xa1: {  	s22 =	simm.s32 $0x1BFF;
	s21 =	sshll.u32 s6, $0x1;
	s3 =	sadd.s32 s19, s18  }
0xa2: {  	s7 =	simm.s32 $0x0;
	s20 =	sshll.u32 s5, $0x1;
	s5 =	sadd.s32 s21, s3  }
0xa3: {  	[timem:s7], [sflag:s22] =	dma.local [hbm:s5], s20  }
0xa4: {  	_ =	swait.ge [sflag:s22], s20  }
0xa5: {  	s4 =	ssub.s32 $0x0, s20;
	[sflag:s22] =	ssyncset.done $0x0  }
0xa6: {  	[sflag:s22] =	ssyncadd.s32 s4;
	_ =	sdelay $0x1  }
0xa7: {  	s23 =	simm.s32 $0x1B8B  }
0xa8: {  	_ =	swait.ge [sflag:s23], $0x1  }
0xa9: {  	[sflag:s23] =	ssyncset.done $0x0  }
0xaa: {  	s25 =	simm.s32 $0x1B8E;
	s24 =	sld [smem:$0x3FFE];
	[sflag:s23] =	ssyncadd.s32 $0xFFFFFFFF  }
0xab: {  	s26 =	simm.s32 $execute0_lowered;
	[smem:$0x3FD2] =	sst s25  }
0xac: {  	s5 =	sshll.u32 s26, $0x1;
	_ =	strace $0x80000046;
	[dreg:$0x1] =	wrdreg $0xFFFFFFFF  }
0xad: {  	s28 =	simm.s32 $_size_execute0_lowered;
	s3 =	sadd.s32 s3, s5;
	[dreg:$0x0] =	wrdreg $0x0  }
0xae: {  	s5 =	sshll.u32 s28, $0x1;
	[dreg:$0x2] =	wrdreg s3  }
0xaf: {  	[dreg:$0x3] =	wrdreg s5  }
0xb0: {  	[dreg:$0x4] =	wrdreg $0xC0  }
0xb1: {  	_ =	task [dreg:s7], $0x5FFFF  }
0xb2: {  	[dreg:$0x1] =	wrdreg $0xFFFFFFFF  }
0xb3: {  	[dreg:$0x0] =	wrdreg $0x60  }
0xb4: {  	[dreg:$0x2] =	wrdreg s24  }
0xb5: {  	[dreg:$0x3] =	wrdreg s16  }
0xb6: {  	[dreg:$0x4] =	wrdreg $0x9  }
0xb7: {  	_ =	task.clear_ibuf [dreg:s7], $0x5FFFF;
	_ =	strace $0x90000046  }
0xb8: {  	s29 =	simm.s32 $0x9;
	_ =	strace $0x80000048  }
0xb9: {  	_ =	swait.ge [sflag:s29], $0x1  }
0xba: {  	[sflag:s29] =	ssyncadd.s32 $0xFFFFFFFF  }
0xbb: {  	_ =	strace $0x90000048  }
0xbc: {  	_ =	sfence  }
0xbd: {  	s30 =	sld [smem:$0x0];
	_ =	sdelay $0x2  }
0xbe: {  	s31 =	sshll.u32 s1, $0xD;
	s1 =	sshrl.u32 s1, $0x2  }
0xbf: {  	s3 =	sand.u32 $0x4000, s31;
	s1 =	sadd.s32 s1, s30  }
0xc0: {  	s0 =	sor.u32 s3, s0;
	s1 =	sshll.u32 s1, $0x11  }
0xc1: {  	s0 =	sor.u32 s1, s0  }
0xc2: {  	s0 =	sadd.s32 $0x8F2B, s0  }
0xc3: {  	[sflag:s0] =	ssyncadd.remote.s32 $0x1  }
0xc4: {  	_ =	sfence.sel $0xFFFF  }
0xc5: {  	[dreg:$0x0] =	wrdreg $0xFFFFFFFF;
	(pc) =	sbr.abs _section_cstart, $3  }
0xc6: {  	[dreg:$0x1] =	wrdreg $0xFFFFFFFF  }
0xc7: {  	_ =	task.clear_ibuf [dreg:s7], $0x2FFFF;
	_ =	strace $0x9FFFFFFF  }
0xc8: {  	(tm) =	ssettm $0x7FFFFFFF  }
0xc9: {  	_ =	shalt  }
tec
execute0_lowered:
.L_overlay_start_1:
0x0: {  	(tag) =	ssettag $0x1  }
0x1: {  	s0 =	rddreg [dreg:$0x0]  }
0x2: {  	s1 =	rddreg [dreg:$0x1]  }
0x3: {  	s2 =	simm.s32 $0x0;
	s3 =	srdreg.scid;
	s5 =	stileid.u32  }
0x4: {  	s12 =	simm.s32 $0x1;
	s14 =	simm.s32 $0x900;
	s15 =	simm.s32 $0x1100  }
0x5: {  	s16 =	simm.s32 $0x1900;
	s17 =	simm.s32 $0x2100;
	s18 =	simm.s32 $0x2900  }
0x6: {  	s19 =	simm.s32 $0x3100;
	s20 =	simm.s32 $0x3900;
	s21 =	simm.s32 $0x4100  }
0x7: {  	s22 =	simm.s32 $0x4900;
	s28 =	simm.s32 $0x7100;
	s29 =	simm.s32 $0x7900  }
0x8: {  	s30 =	simm.s32 $0x8100;
	s31 =	simm.s32 $0x8900;
	s9 =	simm.s32 $0xB100  }
0x9: {  	s10 =	simm.s32 $0xB900;
	s11 =	simm.s32 $0xC100;
	[smem:$0x7FF] =	sst s2  }
0xa: {  	s4 =	sand.u32 $0x1, s3;
	s5 =	sshll.u32 s5, $0xA;
	s3 =	sadd.s32 $0xA00, s0  }
0xb: {  	s0 =	sadd.s32 $0x40A00, s0;
	s6 =	sshll.u32 s4, $0x9;
	s4 =	ssub.s32 $0x2, s4  }
0xc: {  	_ =	strace $0x80000047;
	s5 =	sor.u32 s6, s5;
	s23 =	sshrl.u32 s4, $0x1  }
0xd: {  	s6 =	simm.s32 $0xC900;
	s7 =	sshrl.u32 s5, $0x3;
	s8 =	sshll.u32 s5, $0x5  }
0xe: {  	s5 =	sor.u32 $0x100, s5;
	s4 =	ssub.s32 s4, s23;
	s23 =	simm.s32 $0x5100  }
0xf: {  	s7 =	sadd.s32 s0, s7;
	s24 =	sadd.s32 s1, s8;
	s25 =	sshrl.u32 s5, $0x3  }
0x10: {  	s5 =	sshll.u32 s5, $0x5;
	s4 =	smax.u32 s4, $0x1;
	[dreg:$0x3] =	wrdreg s7  }
0x11: {  	s8 =	simm.s32 $0xA900;
	[dreg:$0x4] =	wrdreg s24;
	s0 =	sadd.s32 s0, s25  }
0x12: {  	v2 =	vlaneseq.u32;
	s26 =	sadd.s32 s1, s5;
	s5 =	simm.s32 $0x2;
	s24 =	simm.s32 $0x5900  }
0x13: {  	vm0 =	vmmov $0xffff;
	v1 =	vshrl.u32 v2, $0x3;
	s25 =	simm.s32 $0x6100;
	s1 =	simm.s32 $0x9900;
	[dreg:$0x5] =	wrdreg s0  }
0x14: {  	v0 =	vand.u32 $0x7, v2;
	v2 =	vor.u32 $0x8, v2;
	v1 =	vmul.u32 $0x8, v1;
	s7 =	simm.s32 $0xA100;
	[dreg:$0x6] =	wrdreg s26;
	s26 =	simm.s32 $0x6900  }
.LBB2_1:
0x15: {  	s13 =	rddreg [dreg:$0x3]  }
0x16: {  	[tilespmem:s2], [sflag:$0x2] =	stream.linear.gather [hbm4b:s13+s2], $0x100, $0x38;
	[tilespmem:$0x10100] =	vst v63  }
0x17: {  	_ =	swait.ge [sflag:s5], $0x100  }
0x18: {  	[sflag:s5] =	ssyncset.done $0x0  }
0x19: {  	[sflag:s5] =	ssyncadd.s32 $0xFFFFFF00  }
0x1a: {  	v3 =	vld [tilespmem:$0x0];
	_ =	sdelay $0x4  }
0x1b: {  	v4 =	vshll.u32 v3, $0x1  }
0x1c: {  	v3 =	vand.u32 $0x7, v3;
	v4 =	vand.u32 $0xFFFFFFF0, v4  }
0x1d: {  	v3 =	vor.u32 v3, v4  }
0x1e: {  	v4 =	vperm.xlane v3, v0;
	_ =	sdelay $0x1  }
0x1f: {  	v3 =	vperm.xlane v3, v2;
	v4 =	vadd.s32 v1, v4;
	_ =	sdelay $0x1  }
0x20: {  	v3 =	vadd.s32 v1, v3;
	_ =	sdelay $0x1  }
0x21: {  	s0 =	simm.s32 $0x100  }
0x22: {  	[tilespmem:s0], [sflag:$0x1] =	stream.indirect_vreg.gather [hbm4b:s3+s2], $0x80, v4, vm0, $0xb8;
	[tilespmem:$0x10100] =	vst v63  }
0x23: {  	_ = 	snop  }
0x24: {  	[tilespmem:s14], [sflag:$0x1] =	stream.indirect_vreg.gather [hbm4b:s3+s2], $0x80, v3, vm0, $0xb8;
	[tilespmem:$0x10100] =	vst v63  }
0x25: {  	v3 =	vld [tilespmem:$0x10];
	_ =	sdelay $0x4  }
0x26: {  	v33 =	vshll.u32 v3, $0x1  }
0x27: {  	v3 =	vand.u32 $0x7, v3;
	v4 =	vand.u32 $0xFFFFFFF0, v33  }
0x28: {  	v3 =	vor.u32 v3, v4  }
0x29: {  	v4 =	vperm.xlane v3, v0;
	_ =	sdelay $0x1  }
0x2a: {  	v3 =	vperm.xlane v3, v2;
	v4 =	vadd.s32 v1, v4;
	_ =	sdelay $0x1  }
0x2b: {  	v3 =	vadd.s32 v1, v3;
	_ =	sdelay $0x2  }
0x2c: {  	[tilespmem:s15], [sflag:$0x1] =	stream.indirect_vreg.gather [hbm4b:s3+s2], $0x80, v4, vm0, $0xb8;
	[tilespmem:$0x10100] =	vst v63  }
0x2d: {  	_ = 	snop  }
0x2e: {  	[tilespmem:s16], [sflag:$0x1] =	stream.indirect_vreg.gather [hbm4b:s3+s2], $0x80, v3, vm0, $0xb8;
	[tilespmem:$0x10100] =	vst v63  }
0x2f: {  	v3 =	vld [tilespmem:$0x20];
	_ =	sdelay $0x4  }
0x30: {  	v34 =	vshll.u32 v3, $0x1  }
0x31: {  	v3 =	vand.u32 $0x7, v3;
	v4 =	vand.u32 $0xFFFFFFF0, v34  }
0x32: {  	v3 =	vor.u32 v3, v4  }
0x33: {  	v4 =	vperm.xlane v3, v0;
	_ =	sdelay $0x1  }
0x34: {  	v3 =	vperm.xlane v3, v2;
	v4 =	vadd.s32 v1, v4;
	_ =	sdelay $0x1  }
0x35: {  	v3 =	vadd.s32 v1, v3;
	_ =	sdelay $0x2  }
0x36: {  	[tilespmem:s17], [sflag:$0x1] =	stream.indirect_vreg.gather [hbm4b:s3+s2], $0x80, v4, vm0, $0xb8;
	[tilespmem:$0x10100] =	vst v63  }
0x37: {  	_ = 	snop  }
0x38: {  	[tilespmem:s18], [sflag:$0x1] =	stream.indirect_vreg.gather [hbm4b:s3+s2], $0x80, v3, vm0, $0xb8;
	[tilespmem:$0x10100] =	vst v63  }
0x39: {  	v3 =	vld [tilespmem:$0x30];
	_ =	sdelay $0x4  }
0x3a: {  	v35 =	vshll.u32 v3, $0x1  }
0x3b: {  	v3 =	vand.u32 $0x7, v3;
	v4 =	vand.u32 $0xFFFFFFF0, v35  }
0x3c: {  	v3 =	vor.u32 v3, v4  }
0x3d: {  	v4 =	vperm.xlane v3, v0;
	_ =	sdelay $0x1  }
0x3e: {  	v3 =	vperm.xlane v3, v2;
	v4 =	vadd.s32 v1, v4;
	_ =	sdelay $0x1  }
0x3f: {  	v3 =	vadd.s32 v1, v3;
	_ =	sdelay $0x2  }
0x40: {  	[tilespmem:s19], [sflag:$0x1] =	stream.indirect_vreg.gather [hbm4b:s3+s2], $0x80, v4, vm0, $0xb8;
	[tilespmem:$0x10100] =	vst v63  }
0x41: {  	_ = 	snop  }
0x42: {  	[tilespmem:s20], [sflag:$0x1] =	stream.indirect_vreg.gather [hbm4b:s3+s2], $0x80, v3, vm0, $0xb8;
	[tilespmem:$0x10100] =	vst v63  }
0x43: {  	v3 =	vld [tilespmem:$0x40];
	_ =	sdelay $0x4  }
0x44: {  	v36 =	vshll.u32 v3, $0x1  }
0x45: {  	v3 =	vand.u32 $0x7, v3;
	v4 =	vand.u32 $0xFFFFFFF0, v36  }
0x46: {  	v3 =	vor.u32 v3, v4  }
0x47: {  	v4 =	vperm.xlane v3, v0;
	_ =	sdelay $0x1  }
0x48: {  	v3 =	vperm.xlane v3, v2;
	v4 =	vadd.s32 v1, v4;
	_ =	sdelay $0x1  }
0x49: {  	v3 =	vadd.s32 v1, v3;
	_ =	sdelay $0x2  }
0x4a: {  	[tilespmem:s21], [sflag:$0x1] =	stream.indirect_vreg.gather [hbm4b:s3+s2], $0x80, v4, vm0, $0xb8;
	[tilespmem:$0x10100] =	vst v63  }
0x4b: {  	_ = 	snop  }
0x4c: {  	[tilespmem:s22], [sflag:$0x1] =	stream.indirect_vreg.gather [hbm4b:s3+s2], $0x80, v3, vm0, $0xb8;
	[tilespmem:$0x10100] =	vst v63  }
0x4d: {  	v3 =	vld [tilespmem:$0x50];
	_ =	sdelay $0x4  }
0x4e: {  	v37 =	vshll.u32 v3, $0x1  }
0x4f: {  	v3 =	vand.u32 $0x7, v3;
	v4 =	vand.u32 $0xFFFFFFF0, v37  }
0x50: {  	v3 =	vor.u32 v3, v4  }
0x51: {  	v4 =	vperm.xlane v3, v0;
	_ =	sdelay $0x1  }
0x52: {  	v3 =	vperm.xlane v3, v2;
	v4 =	vadd.s32 v1, v4;
	_ =	sdelay $0x1  }
0x53: {  	v3 =	vadd.s32 v1, v3;
	_ =	sdelay $0x2  }
0x54: {  	[tilespmem:s23], [sflag:$0x1] =	stream.indirect_vreg.gather [hbm4b:s3+s2], $0x80, v4, vm0, $0xb8;
	[tilespmem:$0x10100] =	vst v63  }
0x55: {  	_ = 	snop  }
0x56: {  	[tilespmem:s24], [sflag:$0x1] =	stream.indirect_vreg.gather [hbm4b:s3+s2], $0x80, v3, vm0, $0xb8;
	[tilespmem:$0x10100] =	vst v63  }
0x57: {  	v3 =	vld [tilespmem:$0x60];
	_ =	sdelay $0x4  }
0x58: {  	v38 =	vshll.u32 v3, $0x1  }
0x59: {  	v3 =	vand.u32 $0x7, v3;
	v4 =	vand.u32 $0xFFFFFFF0, v38  }
0x5a: {  	v3 =	vor.u32 v3, v4  }
0x5b: {  	v4 =	vperm.xlane v3, v0;
	_ =	sdelay $0x1  }
0x5c: {  	v3 =	vperm.xlane v3, v2;
	v4 =	vadd.s32 v1, v4;
	_ =	sdelay $0x1  }
0x5d: {  	v3 =	vadd.s32 v1, v3;
	_ =	sdelay $0x2  }
0x5e: {  	[tilespmem:s25], [sflag:$0x1] =	stream.indirect_vreg.gather [hbm4b:s3+s2], $0x80, v4, vm0, $0xb8;
	[tilespmem:$0x10100] =	vst v63  }
0x5f: {  	_ = 	snop  }
0x60: {  	[tilespmem:s26], [sflag:$0x1] =	stream.indirect_vreg.gather [hbm4b:s3+s2], $0x80, v3, vm0, $0xb8;
	[tilespmem:$0x10100] =	vst v63  }
0x61: {  	v3 =	vld [tilespmem:$0x70];
	_ =	sdelay $0x4  }
0x62: {  	v39 =	vshll.u32 v3, $0x1  }
0x63: {  	v3 =	vand.u32 $0x7, v3;
	v4 =	vand.u32 $0xFFFFFFF0, v39  }
0x64: {  	v3 =	vor.u32 v3, v4  }
0x65: {  	v4 =	vperm.xlane v3, v0;
	_ =	sdelay $0x1  }
0x66: {  	v3 =	vperm.xlane v3, v2;
	v4 =	vadd.s32 v1, v4;
	_ =	sdelay $0x1  }
0x67: {  	v3 =	vadd.s32 v1, v3;
	_ =	sdelay $0x2  }
0x68: {  	[tilespmem:s28], [sflag:$0x1] =	stream.indirect_vreg.gather [hbm4b:s3+s2], $0x80, v4, vm0, $0xb8;
	[tilespmem:$0x10100] =	vst v63  }
0x69: {  	_ = 	snop  }
0x6a: {  	[tilespmem:s29], [sflag:$0x1] =	stream.indirect_vreg.gather [hbm4b:s3+s2], $0x80, v3, vm0, $0xb8;
	[tilespmem:$0x10100] =	vst v63  }
0x6b: {  	v3 =	vld [tilespmem:$0x80];
	_ =	sdelay $0x4  }
0x6c: {  	v40 =	vshll.u32 v3, $0x1  }
0x6d: {  	v3 =	vand.u32 $0x7, v3;
	v4 =	vand.u32 $0xFFFFFFF0, v40  }
0x6e: {  	v3 =	vor.u32 v3, v4  }
0x6f: {  	v4 =	vperm.xlane v3, v0;
	_ =	sdelay $0x1  }
0x70: {  	v3 =	vperm.xlane v3, v2;
	v4 =	vadd.s32 v1, v4;
	_ =	sdelay $0x1  }
0x71: {  	v3 =	vadd.s32 v1, v3;
	_ =	sdelay $0x2  }
0x72: {  	[tilespmem:s30], [sflag:$0x1] =	stream.indirect_vreg.gather [hbm4b:s3+s2], $0x80, v4, vm0, $0xb8;
	[tilespmem:$0x10100] =	vst v63  }
0x73: {  	_ = 	snop  }
0x74: {  	[tilespmem:s31], [sflag:$0x1] =	stream.indirect_vreg.gather [hbm4b:s3+s2], $0x80, v3, vm0, $0xb8;
	[tilespmem:$0x10100] =	vst v63  }
0x75: {  	v3 =	vld [tilespmem:$0x90];
	_ =	sdelay $0x4  }
0x76: {  	v41 =	vshll.u32 v3, $0x1  }
0x77: {  	v3 =	vand.u32 $0x7, v3;
	v4 =	vand.u32 $0xFFFFFFF0, v41  }
0x78: {  	v3 =	vor.u32 v3, v4  }
0x79: {  	v4 =	vperm.xlane v3, v0;
	_ =	sdelay $0x1  }
0x7a: {  	v3 =	vperm.xlane v3, v2;
	v4 =	vadd.s32 v1, v4;
	_ =	sdelay $0x1  }
0x7b: {  	v3 =	vadd.s32 v1, v3;
	_ =	sdelay $0x1  }
0x7c: {  	s13 =	simm.s32 $0x9100  }
0x7d: {  	[tilespmem:s13], [sflag:$0x1] =	stream.indirect_vreg.gather [hbm4b:s3+s2], $0x80, v4, vm0, $0xb8;
	[tilespmem:$0x10100] =	vst v63  }
0x7e: {  	_ = 	snop  }
0x7f: {  	[tilespmem:s1], [sflag:$0x1] =	stream.indirect_vreg.gather [hbm4b:s3+s2], $0x80, v3, vm0, $0xb8;
	[tilespmem:$0x10100] =	vst v63  }
0x80: {  	v3 =	vld [tilespmem:$0xA0];
	_ =	sdelay $0x4  }
0x81: {  	v42 =	vshll.u32 v3, $0x1  }
0x82: {  	v3 =	vand.u32 $0x7, v3;
	v4 =	vand.u32 $0xFFFFFFF0, v42  }
0x83: {  	v3 =	vor.u32 v3, v4  }
0x84: {  	v4 =	vperm.xlane v3, v0;
	_ =	sdelay $0x1  }
0x85: {  	v3 =	vperm.xlane v3, v2;
	v4 =	vadd.s32 v1, v4;
	_ =	sdelay $0x1  }
0x86: {  	v3 =	vadd.s32 v1, v3;
	_ =	sdelay $0x2  }
0x87: {  	[tilespmem:s7], [sflag:$0x1] =	stream.indirect_vreg.gather [hbm4b:s3+s2], $0x80, v4, vm0, $0xb8;
	[tilespmem:$0x10100] =	vst v63  }
0x88: {  	_ = 	snop  }
0x89: {  	[tilespmem:s8], [sflag:$0x1] =	stream.indirect_vreg.gather [hbm4b:s3+s2], $0x80, v3, vm0, $0xb8;
	[tilespmem:$0x10100] =	vst v63  }
0x8a: {  	v3 =	vld [tilespmem:$0xB0];
	_ =	sdelay $0x4  }
0x8b: {  	v43 =	vshll.u32 v3, $0x1  }
0x8c: {  	v3 =	vand.u32 $0x7, v3;
	v4 =	vand.u32 $0xFFFFFFF0, v43  }
0x8d: {  	v3 =	vor.u32 v3, v4  }
0x8e: {  	v4 =	vperm.xlane v3, v0;
	_ =	sdelay $0x1  }
0x8f: {  	v3 =	vperm.xlane v3, v2;
	v4 =	vadd.s32 v1, v4;
	_ =	sdelay $0x1  }
0x90: {  	v3 =	vadd.s32 v1, v3;
	_ =	sdelay $0x2  }
0x91: {  	[tilespmem:s9], [sflag:$0x1] =	stream.indirect_vreg.gather [hbm4b:s3+s2], $0x80, v4, vm0, $0xb8;
	[tilespmem:$0x10100] =	vst v63  }
0x92: {  	_ = 	snop  }
0x93: {  	[tilespmem:s10], [sflag:$0x1] =	stream.indirect_vreg.gather [hbm4b:s3+s2], $0x80, v3, vm0, $0xb8;
	[tilespmem:$0x10100] =	vst v63  }
0x94: {  	v3 =	vld [tilespmem:$0xC0];
	_ =	sdelay $0x4  }
0x95: {  	v44 =	vshll.u32 v3, $0x1  }
0x96: {  	v3 =	vand.u32 $0x7, v3;
	v4 =	vand.u32 $0xFFFFFFF0, v44  }
0x97: {  	v3 =	vor.u32 v3, v4  }
0x98: {  	v4 =	vperm.xlane v3, v0;
	_ =	sdelay $0x1  }
0x99: {  	v3 =	vperm.xlane v3, v2;
	v4 =	vadd.s32 v1, v4;
	_ =	sdelay $0x1  }
0x9a: {  	v3 =	vadd.s32 v1, v3;
	_ =	sdelay $0x2  }
0x9b: {  	[tilespmem:s11], [sflag:$0x1] =	stream.indirect_vreg.gather [hbm4b:s3+s2], $0x80, v4, vm0, $0xb8;
	[tilespmem:$0x10100] =	vst v63  }
0x9c: {  	_ = 	snop  }
0x9d: {  	[tilespmem:s6], [sflag:$0x1] =	stream.indirect_vreg.gather [hbm4b:s3+s2], $0x80, v3, vm0, $0xb8;
	[tilespmem:$0x10100] =	vst v63  }
0x9e: {  	v3 =	vld [tilespmem:$0xD0];
	_ =	sdelay $0x4  }
0x9f: {  	v45 =	vshll.u32 v3, $0x1  }
0xa0: {  	v3 =	vand.u32 $0x7, v3;
	v4 =	vand.u32 $0xFFFFFFF0, v45  }
0xa1: {  	v3 =	vor.u32 v3, v4  }
0xa2: {  	v4 =	vperm.xlane v3, v0;
	_ =	sdelay $0x1  }
0xa3: {  	v3 =	vperm.xlane v3, v2;
	v4 =	vadd.s32 v1, v4;
	_ =	sdelay $0x1  }
0xa4: {  	v3 =	vadd.s32 v1, v3;
	_ =	sdelay $0x1  }
0xa5: {  	s13 =	simm.s32 $0xD100  }
0xa6: {  	[tilespmem:s13], [sflag:$0x1] =	stream.indirect_vreg.gather [hbm4b:s3+s2], $0x80, v4, vm0, $0xb8;
	[tilespmem:$0x10100] =	vst v63  }
0xa7: {  	s13 =	simm.s32 $0xD900  }
0xa8: {  	[tilespmem:s13], [sflag:$0x1] =	stream.indirect_vreg.gather [hbm4b:s3+s2], $0x80, v3, vm0, $0xb8;
	[tilespmem:$0x10100] =	vst v63  }
0xa9: {  	v3 =	vld [tilespmem:$0xE0];
	_ =	sdelay $0x4  }
0xaa: {  	v46 =	vshll.u32 v3, $0x1  }
0xab: {  	v3 =	vand.u32 $0x7, v3;
	v4 =	vand.u32 $0xFFFFFFF0, v46  }
0xac: {  	v3 =	vor.u32 v3, v4  }
0xad: {  	v4 =	vperm.xlane v3, v0;
	_ =	sdelay $0x1  }
0xae: {  	v3 =	vperm.xlane v3, v2;
	v4 =	vadd.s32 v1, v4;
	_ =	sdelay $0x1  }
0xaf: {  	v3 =	vadd.s32 v1, v3;
	_ =	sdelay $0x1  }
0xb0: {  	s13 =	simm.s32 $0xE100  }
0xb1: {  	[tilespmem:s13], [sflag:$0x1] =	stream.indirect_vreg.gather [hbm4b:s3+s2], $0x80, v4, vm0, $0xb8;
	[tilespmem:$0x10100] =	vst v63  }
0xb2: {  	s13 =	simm.s32 $0xE900  }
0xb3: {  	[tilespmem:s13], [sflag:$0x1] =	stream.indirect_vreg.gather [hbm4b:s3+s2], $0x80, v3, vm0, $0xb8;
	[tilespmem:$0x10100] =	vst v63  }
0xb4: {  	v3 =	vld [tilespmem:$0xF0];
	_ =	sdelay $0x4  }
0xb5: {  	v47 =	vshll.u32 v3, $0x1  }
0xb6: {  	v3 =	vand.u32 $0x7, v3;
	v4 =	vand.u32 $0xFFFFFFF0, v47  }
0xb7: {  	v3 =	vor.u32 v3, v4  }
0xb8: {  	v4 =	vperm.xlane v3, v0;
	_ =	sdelay $0x1  }
0xb9: {  	v3 =	vperm.xlane v3, v2;
	v4 =	vadd.s32 v1, v4;
	_ =	sdelay $0x1  }
0xba: {  	v3 =	vadd.s32 v1, v3;
	_ =	sdelay $0x1  }
0xbb: {  	s13 =	simm.s32 $0xF100  }
0xbc: {  	[tilespmem:s13], [sflag:$0x1] =	stream.indirect_vreg.gather [hbm4b:s3+s2], $0x80, v4, vm0, $0xb8;
	[tilespmem:$0x10100] =	vst v63  }
0xbd: {  	s13 =	simm.s32 $0xF900  }
0xbe: {  	[tilespmem:s13], [sflag:$0x1] =	stream.indirect_vreg.gather [hbm4b:s3+s2], $0x80, v3, vm0, $0xb8;
	[tilespmem:$0x10100] =	vst v63  }
0xbf: {  	_ =	swait.ge [sflag:s12], $0x10000  }
0xc0: {  	[sflag:s12] =	ssyncset.done $0x0  }
0xc1: {  	s0 =	simm.s32 $0x100;
	s13 =	rddreg [dreg:$0x4];
	[sflag:s12] =	ssyncadd.s32 $0xFFFF0000  }
0xc2: {  	[hbm4b:s13+s2] =	stream.linear.scatter [tilespmem:s0], [sflag:$0x2], $0x10000, $0x38;
	[tilespmem:$0x10100] =	vst v63  }
0xc3: {  	_ =	swait.ge [sflag:s5], $0x10000  }
0xc4: {  	[sflag:s5] =	ssyncset.done $0x0  }
0xc5: {  	s13 =	rddreg [dreg:$0x5];
	[sflag:s5] =	ssyncadd.s32 $0xFFFF0000  }
0xc6: {  	[tilespmem:s2], [sflag:$0x2] =	stream.linear.gather [hbm4b:s13+s2], $0x100, $0x38;
	[tilespmem:$0x10100] =	vst v63  }
0xc7: {  	_ =	swait.ge [sflag:s5], $0x100  }
0xc8: {  	[sflag:s5] =	ssyncset.done $0x0  }
0xc9: {  	[sflag:s5] =	ssyncadd.s32 $0xFFFFFF00  }
0xca: {  	v3 =	vld [tilespmem:$0x0];
	_ =	sdelay $0x4  }
0xcb: {  	v48 =	vshll.u32 v3, $0x1  }
0xcc: {  	v3 =	vand.u32 $0x7, v3;
	v4 =	vand.u32 $0xFFFFFFF0, v48  }
0xcd: {  	v3 =	vor.u32 v3, v4  }
0xce: {  	v4 =	vperm.xlane v3, v0;
	_ =	sdelay $0x1  }
0xcf: {  	v3 =	vperm.xlane v3, v2;
	v4 =	vadd.s32 v1, v4;
	_ =	sdelay $0x1  }
0xd0: {  	v3 =	vadd.s32 v1, v3;
	_ =	sdelay $0x2  }
0xd1: {  	[tilespmem:s0], [sflag:$0x1] =	stream.indirect_vreg.gather [hbm4b:s3+s2], $0x80, v4, vm0, $0xb8;
	[tilespmem:$0x10100] =	vst v63  }
0xd2: {  	_ = 	snop  }
0xd3: {  	[tilespmem:s14], [sflag:$0x1] =	stream.indirect_vreg.gather [hbm4b:s3+s2], $0x80, v3, vm0, $0xb8;
	[tilespmem:$0x10100] =	vst v63  }
0xd4: {  	v3 =	vld [tilespmem:$0x10];
	_ =	sdelay $0x4  }
0xd5: {  	v49 =	vshll.u32 v3, $0x1  }
0xd6: {  	v3 =	vand.u32 $0x7, v3;
	v4 =	vand.u32 $0xFFFFFFF0, v49  }
0xd7: {  	v3 =	vor.u32 v3, v4  }
0xd8: {  	v4 =	vperm.xlane v3, v0;
	_ =	sdelay $0x1  }
0xd9: {  	v3 =	vperm.xlane v3, v2;
	v4 =	vadd.s32 v1, v4;
	_ =	sdelay $0x1  }
0xda: {  	v3 =	vadd.s32 v1, v3;
	_ =	sdelay $0x2  }
0xdb: {  	[tilespmem:s15], [sflag:$0x1] =	stream.indirect_vreg.gather [hbm4b:s3+s2], $0x80, v4, vm0, $0xb8;
	[tilespmem:$0x10100] =	vst v63  }
0xdc: {  	_ = 	snop  }
0xdd: {  	[tilespmem:s16], [sflag:$0x1] =	stream.indirect_vreg.gather [hbm4b:s3+s2], $0x80, v3, vm0, $0xb8;
	[tilespmem:$0x10100] =	vst v63  }
0xde: {  	v3 =	vld [tilespmem:$0x20];
	_ =	sdelay $0x4  }
0xdf: {  	v50 =	vshll.u32 v3, $0x1  }
0xe0: {  	v3 =	vand.u32 $0x7, v3;
	v4 =	vand.u32 $0xFFFFFFF0, v50  }
0xe1: {  	v3 =	vor.u32 v3, v4  }
0xe2: {  	v4 =	vperm.xlane v3, v0;
	_ =	sdelay $0x1  }
0xe3: {  	v3 =	vperm.xlane v3, v2;
	v4 =	vadd.s32 v1, v4;
	_ =	sdelay $0x1  }
0xe4: {  	v3 =	vadd.s32 v1, v3;
	_ =	sdelay $0x2  }
0xe5: {  	[tilespmem:s17], [sflag:$0x1] =	stream.indirect_vreg.gather [hbm4b:s3+s2], $0x80, v4, vm0, $0xb8;
	[tilespmem:$0x10100] =	vst v63  }
0xe6: {  	_ = 	snop  }
0xe7: {  	[tilespmem:s18], [sflag:$0x1] =	stream.indirect_vreg.gather [hbm4b:s3+s2], $0x80, v3, vm0, $0xb8;
	[tilespmem:$0x10100] =	vst v63  }
0xe8: {  	v3 =	vld [tilespmem:$0x30];
	_ =	sdelay $0x4  }
0xe9: {  	v51 =	vshll.u32 v3, $0x1  }
0xea: {  	v3 =	vand.u32 $0x7, v3;
	v4 =	vand.u32 $0xFFFFFFF0, v51  }
0xeb: {  	v3 =	vor.u32 v3, v4  }
0xec: {  	v4 =	vperm.xlane v3, v0;
	_ =	sdelay $0x1  }
0xed: {  	v3 =	vperm.xlane v3, v2;
	v4 =	vadd.s32 v1, v4;
	_ =	sdelay $0x1  }
0xee: {  	v3 =	vadd.s32 v1, v3;
	_ =	sdelay $0x2  }
0xef: {  	[tilespmem:s19], [sflag:$0x1] =	stream.indirect_vreg.gather [hbm4b:s3+s2], $0x80, v4, vm0, $0xb8;
	[tilespmem:$0x10100] =	vst v63  }
0xf0: {  	_ = 	snop  }
0xf1: {  	[tilespmem:s20], [sflag:$0x1] =	stream.indirect_vreg.gather [hbm4b:s3+s2], $0x80, v3, vm0, $0xb8;
	[tilespmem:$0x10100] =	vst v63  }
0xf2: {  	v3 =	vld [tilespmem:$0x40];
	_ =	sdelay $0x4  }
0xf3: {  	v52 =	vshll.u32 v3, $0x1  }
0xf4: {  	v3 =	vand.u32 $0x7, v3;
	v4 =	vand.u32 $0xFFFFFFF0, v52  }
0xf5: {  	v3 =	vor.u32 v3, v4  }
0xf6: {  	v4 =	vperm.xlane v3, v0;
	_ =	sdelay $0x1  }
0xf7: {  	v3 =	vperm.xlane v3, v2;
	v4 =	vadd.s32 v1, v4;
	_ =	sdelay $0x1  }
0xf8: {  	v3 =	vadd.s32 v1, v3;
	_ =	sdelay $0x2  }
0xf9: {  	[tilespmem:s21], [sflag:$0x1] =	stream.indirect_vreg.gather [hbm4b:s3+s2], $0x80, v4, vm0, $0xb8;
	[tilespmem:$0x10100] =	vst v63  }
0xfa: {  	_ = 	snop  }
0xfb: {  	[tilespmem:s22], [sflag:$0x1] =	stream.indirect_vreg.gather [hbm4b:s3+s2], $0x80, v3, vm0, $0xb8;
	[tilespmem:$0x10100] =	vst v63  }
0xfc: {  	v3 =	vld [tilespmem:$0x50];
	_ =	sdelay $0x4  }
0xfd: {  	v53 =	vshll.u32 v3, $0x1  }
0xfe: {  	v3 =	vand.u32 $0x7, v3;
	v4 =	vand.u32 $0xFFFFFFF0, v53  }
0xff: {  	v3 =	vor.u32 v3, v4  }
0x100: {  	v4 =	vperm.xlane v3, v0;
	_ =	sdelay $0x1  }
0x101: {  	v3 =	vperm.xlane v3, v2;
	v4 =	vadd.s32 v1, v4;
	_ =	sdelay $0x1  }
0x102: {  	v3 =	vadd.s32 v1, v3;
	_ =	sdelay $0x2  }
0x103: {  	[tilespmem:s23], [sflag:$0x1] =	stream.indirect_vreg.gather [hbm4b:s3+s2], $0x80, v4, vm0, $0xb8;
	[tilespmem:$0x10100] =	vst v63  }
0x104: {  	_ = 	snop  }
0x105: {  	[tilespmem:s24], [sflag:$0x1] =	stream.indirect_vreg.gather [hbm4b:s3+s2], $0x80, v3, vm0, $0xb8;
	[tilespmem:$0x10100] =	vst v63  }
0x106: {  	v3 =	vld [tilespmem:$0x60];
	_ =	sdelay $0x4  }
0x107: {  	v54 =	vshll.u32 v3, $0x1  }
0x108: {  	v3 =	vand.u32 $0x7, v3;
	v4 =	vand.u32 $0xFFFFFFF0, v54  }
0x109: {  	v3 =	vor.u32 v3, v4  }
0x10a: {  	v4 =	vperm.xlane v3, v0;
	_ =	sdelay $0x1  }
0x10b: {  	v3 =	vperm.xlane v3, v2;
	v4 =	vadd.s32 v1, v4;
	_ =	sdelay $0x1  }
0x10c: {  	v3 =	vadd.s32 v1, v3;
	_ =	sdelay $0x2  }
0x10d: {  	[tilespmem:s25], [sflag:$0x1] =	stream.indirect_vreg.gather [hbm4b:s3+s2], $0x80, v4, vm0, $0xb8;
	[tilespmem:$0x10100] =	vst v63  }
0x10e: {  	_ = 	snop  }
0x10f: {  	[tilespmem:s26], [sflag:$0x1] =	stream.indirect_vreg.gather [hbm4b:s3+s2], $0x80, v3, vm0, $0xb8;
	[tilespmem:$0x10100] =	vst v63  }
0x110: {  	v3 =	vld [tilespmem:$0x70];
	_ =	sdelay $0x4  }
0x111: {  	v55 =	vshll.u32 v3, $0x1  }
0x112: {  	v3 =	vand.u32 $0x7, v3;
	v4 =	vand.u32 $0xFFFFFFF0, v55  }
0x113: {  	v3 =	vor.u32 v3, v4  }
0x114: {  	v4 =	vperm.xlane v3, v0;
	_ =	sdelay $0x1  }
0x115: {  	v3 =	vperm.xlane v3, v2;
	v4 =	vadd.s32 v1, v4;
	_ =	sdelay $0x1  }
0x116: {  	v3 =	vadd.s32 v1, v3;
	_ =	sdelay $0x2  }
0x117: {  	[tilespmem:s28], [sflag:$0x1] =	stream.indirect_vreg.gather [hbm4b:s3+s2], $0x80, v4, vm0, $0xb8;
	[tilespmem:$0x10100] =	vst v63  }
0x118: {  	_ = 	snop  }
0x119: {  	[tilespmem:s29], [sflag:$0x1] =	stream.indirect_vreg.gather [hbm4b:s3+s2], $0x80, v3, vm0, $0xb8;
	[tilespmem:$0x10100] =	vst v63  }
0x11a: {  	v3 =	vld [tilespmem:$0x80];
	_ =	sdelay $0x4  }
0x11b: {  	v56 =	vshll.u32 v3, $0x1  }
0x11c: {  	v3 =	vand.u32 $0x7, v3;
	v4 =	vand.u32 $0xFFFFFFF0, v56  }
0x11d: {  	v3 =	vor.u32 v3, v4  }
0x11e: {  	v4 =	vperm.xlane v3, v0;
	_ =	sdelay $0x1  }
0x11f: {  	v3 =	vperm.xlane v3, v2;
	v4 =	vadd.s32 v1, v4;
	_ =	sdelay $0x1  }
0x120: {  	v3 =	vadd.s32 v1, v3;
	_ =	sdelay $0x2  }
0x121: {  	[tilespmem:s30], [sflag:$0x1] =	stream.indirect_vreg.gather [hbm4b:s3+s2], $0x80, v4, vm0, $0xb8;
	[tilespmem:$0x10100] =	vst v63  }
0x122: {  	_ = 	snop  }
0x123: {  	[tilespmem:s31], [sflag:$0x1] =	stream.indirect_vreg.gather [hbm4b:s3+s2], $0x80, v3, vm0, $0xb8;
	[tilespmem:$0x10100] =	vst v63  }
0x124: {  	v3 =	vld [tilespmem:$0x90];
	_ =	sdelay $0x4  }
0x125: {  	v57 =	vshll.u32 v3, $0x1  }
0x126: {  	v3 =	vand.u32 $0x7, v3;
	v4 =	vand.u32 $0xFFFFFFF0, v57  }
0x127: {  	v3 =	vor.u32 v3, v4  }
0x128: {  	v4 =	vperm.xlane v3, v0;
	_ =	sdelay $0x1  }
0x129: {  	v3 =	vperm.xlane v3, v2;
	v4 =	vadd.s32 v1, v4;
	_ =	sdelay $0x1  }
0x12a: {  	v3 =	vadd.s32 v1, v3;
	_ =	sdelay $0x1  }
0x12b: {  	s13 =	simm.s32 $0x9100  }
0x12c: {  	[tilespmem:s13], [sflag:$0x1] =	stream.indirect_vreg.gather [hbm4b:s3+s2], $0x80, v4, vm0, $0xb8;
	[tilespmem:$0x10100] =	vst v63  }
0x12d: {  	_ = 	snop  }
0x12e: {  	[tilespmem:s1], [sflag:$0x1] =	stream.indirect_vreg.gather [hbm4b:s3+s2], $0x80, v3, vm0, $0xb8;
	[tilespmem:$0x10100] =	vst v63  }
0x12f: {  	v3 =	vld [tilespmem:$0xA0];
	_ =	sdelay $0x4  }
0x130: {  	v58 =	vshll.u32 v3, $0x1  }
0x131: {  	v3 =	vand.u32 $0x7, v3;
	v4 =	vand.u32 $0xFFFFFFF0, v58  }
0x132: {  	v3 =	vor.u32 v3, v4  }
0x133: {  	v4 =	vperm.xlane v3, v0;
	_ =	sdelay $0x1  }
0x134: {  	v3 =	vperm.xlane v3, v2;
	v4 =	vadd.s32 v1, v4;
	_ =	sdelay $0x1  }
0x135: {  	v3 =	vadd.s32 v1, v3;
	_ =	sdelay $0x2  }
0x136: {  	[tilespmem:s7], [sflag:$0x1] =	stream.indirect_vreg.gather [hbm4b:s3+s2], $0x80, v4, vm0, $0xb8;
	[tilespmem:$0x10100] =	vst v63  }
0x137: {  	_ = 	snop  }
0x138: {  	[tilespmem:s8], [sflag:$0x1] =	stream.indirect_vreg.gather [hbm4b:s3+s2], $0x80, v3, vm0, $0xb8;
	[tilespmem:$0x10100] =	vst v63  }
0x139: {  	v3 =	vld [tilespmem:$0xB0];
	_ =	sdelay $0x4  }
0x13a: {  	v59 =	vshll.u32 v3, $0x1  }
0x13b: {  	v3 =	vand.u32 $0x7, v3;
	v4 =	vand.u32 $0xFFFFFFF0, v59  }
0x13c: {  	v3 =	vor.u32 v3, v4  }
0x13d: {  	v4 =	vperm.xlane v3, v0;
	_ =	sdelay $0x1  }
0x13e: {  	v3 =	vperm.xlane v3, v2;
	v4 =	vadd.s32 v1, v4;
	_ =	sdelay $0x1  }
0x13f: {  	v3 =	vadd.s32 v1, v3;
	_ =	sdelay $0x2  }
0x140: {  	[tilespmem:s9], [sflag:$0x1] =	stream.indirect_vreg.gather [hbm4b:s3+s2], $0x80, v4, vm0, $0xb8;
	[tilespmem:$0x10100] =	vst v63  }
0x141: {  	_ = 	snop  }
0x142: {  	[tilespmem:s10], [sflag:$0x1] =	stream.indirect_vreg.gather [hbm4b:s3+s2], $0x80, v3, vm0, $0xb8;
	[tilespmem:$0x10100] =	vst v63  }
0x143: {  	v3 =	vld [tilespmem:$0xC0];
	_ =	sdelay $0x4  }
0x144: {  	v60 =	vshll.u32 v3, $0x1  }
0x145: {  	v3 =	vand.u32 $0x7, v3;
	v4 =	vand.u32 $0xFFFFFFF0, v60  }
0x146: {  	v3 =	vor.u32 v3, v4  }
0x147: {  	v4 =	vperm.xlane v3, v0;
	_ =	sdelay $0x1  }
0x148: {  	v3 =	vperm.xlane v3, v2;
	v4 =	vadd.s32 v1, v4;
	_ =	sdelay $0x1  }
0x149: {  	v3 =	vadd.s32 v1, v3;
	_ =	sdelay $0x2  }
0x14a: {  	[tilespmem:s11], [sflag:$0x1] =	stream.indirect_vreg.gather [hbm4b:s3+s2], $0x80, v4, vm0, $0xb8;
	[tilespmem:$0x10100] =	vst v63  }
0x14b: {  	_ = 	snop  }
0x14c: {  	[tilespmem:s6], [sflag:$0x1] =	stream.indirect_vreg.gather [hbm4b:s3+s2], $0x80, v3, vm0, $0xb8;
	[tilespmem:$0x10100] =	vst v63  }
0x14d: {  	v3 =	vld [tilespmem:$0xD0];
	_ =	sdelay $0x4  }
0x14e: {  	v61 =	vshll.u32 v3, $0x1  }
0x14f: {  	v3 =	vand.u32 $0x7, v3;
	v4 =	vand.u32 $0xFFFFFFF0, v61  }
0x150: {  	v3 =	vor.u32 v3, v4  }
0x151: {  	v4 =	vperm.xlane v3, v0;
	_ =	sdelay $0x1  }
0x152: {  	v3 =	vperm.xlane v3, v2;
	v4 =	vadd.s32 v1, v4;
	_ =	sdelay $0x1  }
0x153: {  	v3 =	vadd.s32 v1, v3;
	_ =	sdelay $0x1  }
0x154: {  	s13 =	simm.s32 $0xD100  }
0x155: {  	[tilespmem:s13], [sflag:$0x1] =	stream.indirect_vreg.gather [hbm4b:s3+s2], $0x80, v4, vm0, $0xb8;
	[tilespmem:$0x10100] =	vst v63  }
0x156: {  	s13 =	simm.s32 $0xD900  }
0x157: {  	[tilespmem:s13], [sflag:$0x1] =	stream.indirect_vreg.gather [hbm4b:s3+s2], $0x80, v3, vm0, $0xb8;
	[tilespmem:$0x10100] =	vst v63  }
0x158: {  	v3 =	vld [tilespmem:$0xE0];
	_ =	sdelay $0x4  }
0x159: {  	v62 =	vshll.u32 v3, $0x1  }
0x15a: {  	v3 =	vand.u32 $0x7, v3;
	v4 =	vand.u32 $0xFFFFFFF0, v62  }
0x15b: {  	v3 =	vor.u32 v3, v4  }
0x15c: {  	v4 =	vperm.xlane v3, v0;
	_ =	sdelay $0x1  }
0x15d: {  	v3 =	vperm.xlane v3, v2;
	v4 =	vadd.s32 v1, v4;
	_ =	sdelay $0x1  }
0x15e: {  	v3 =	vadd.s32 v1, v3;
	_ =	sdelay $0x1  }
0x15f: {  	s13 =	simm.s32 $0xE100  }
0x160: {  	[tilespmem:s13], [sflag:$0x1] =	stream.indirect_vreg.gather [hbm4b:s3+s2], $0x80, v4, vm0, $0xb8;
	[tilespmem:$0x10100] =	vst v63  }
0x161: {  	s13 =	simm.s32 $0xE900  }
0x162: {  	[tilespmem:s13], [sflag:$0x1] =	stream.indirect_vreg.gather [hbm4b:s3+s2], $0x80, v3, vm0, $0xb8;
	[tilespmem:$0x10100] =	vst v63  }
0x163: {  	v3 =	vld [tilespmem:$0xF0];
	_ =	sdelay $0x4  }
0x164: {  	v63 =	vshll.u32 v3, $0x1  }
0x165: {  	v3 =	vand.u32 $0x7, v3;
	v4 =	vand.u32 $0xFFFFFFF0, v63  }
0x166: {  	v3 =	vor.u32 v3, v4  }
0x167: {  	v4 =	vperm.xlane v3, v0;
	_ =	sdelay $0x1  }
0x168: {  	v3 =	vperm.xlane v3, v2;
	v4 =	vadd.s32 v1, v4;
	_ =	sdelay $0x1  }
0x169: {  	v3 =	vadd.s32 v1, v3;
	_ =	sdelay $0x1  }
0x16a: {  	s13 =	simm.s32 $0xF100  }
0x16b: {  	[tilespmem:s13], [sflag:$0x1] =	stream.indirect_vreg.gather [hbm4b:s3+s2], $0x80, v4, vm0, $0xb8;
	[tilespmem:$0x10100] =	vst v63  }
0x16c: {  	s13 =	simm.s32 $0xF900  }
0x16d: {  	[tilespmem:s13], [sflag:$0x1] =	stream.indirect_vreg.gather [hbm4b:s3+s2], $0x80, v3, vm0, $0xb8;
	[tilespmem:$0x10100] =	vst v63  }
0x16e: {  	_ =	swait.ge [sflag:s12], $0x10000  }
0x16f: {  	p0 =	sne.s32 s4, $0x1;
	s0 =	simm.s32 $0x100;
	[sflag:s12] =	ssyncset.done $0x0  }
.Ltmp0:
0x170: {  	s13 =	rddreg [dreg:$0x6];
	[sflag:s12] =	ssyncadd.s32 $0xFFFF0000;
	(pc) =	sbr.rel @p0 .LBB2_1-.Ltmp0, $4  }
0x171: {  	[hbm4b:s13+s2] =	stream.linear.scatter [tilespmem:s0], [sflag:$0x2], $0x10000, $0x38;
	[tilespmem:$0x10100] =	vst v63  }
0x172: {  	_ =	swait.ge [sflag:s5], $0x10000  }
0x173: {  	[sflag:s5] =	ssyncset.done $0x0  }
0x174: {  	s4 =	sadd.s32 $0xFFFFFFFF, s4;
	[sflag:s5] =	ssyncadd.s32 $0xFFFF0000  }
0x175: {  	_ =	sfence.sel $0x180000  }
0x176: {  	[bflag:$0x0] =	sbarrier.arrive $0xFFFF  }
0x177: {  	_ =	strace $0x90000047  }
0x178: {  	s0 =	stileid.u32;
	[bflag:$0x2] =	sbarrier.arrive $0xFFFF  }
0x179: {  	p0 =	sne.s32 s0, $0x0;
	s0 =	rddreg [dreg:$0x2]  }
0x17a: {  	s0 =	sadd.s32 @!p0 $0x100000, s0  }
0x17b: {  	[sflag:s0] =	ssyncadd.tile.s32 @!p0 $0x1;
	_ =	shalt  }
.Lfunc_end2:
_tile_overlayer_lowered:
.L_overlay_start_2:
0x17c: {  	(tag) =	ssettag $0x2  }
0x17d: {  	s0 =	rddreg [dreg:$0x0];
	s2 =	stileid.u32  }
0x17e: {  	s1 =	rddreg [dreg:$0x1];
	p0 =	sne.s32 s2, $0x0  }
0x17f: {  	s3 =	rddreg [dreg:$0x2];
	[bflag:$0x3] =	sbarrier.arrive $0xFFFF;
	s2 =	simm.s32 @!p0 $0x1C02  }
0x180: {  	[timem:s3], [sflag:s2] =	dma.local @!p0 [hbm:s0], s1  }
0x181: {  	s0 =	simm.s32 @!p0 $0x2  }
0x182: {  	_ =	swait.ge @!p0 [sflag:s0], s1  }
0x183: {  	s1 =	ssub.s32 @!p0 $0x0, s1;
	[sflag:s0] =	ssyncset.done @!p0 $0x0  }
0x184: {  	[sflag:s0] =	ssyncadd.s32 @!p0 s1  }
0x185: {  	[bflag:$0x3] =	sbarrier.arrive $0xFFFF  }
0x186: {  	_ =	shalt  }

</sc_bundles>
